<compile_context>
chip_gen: v7x
topology: tpu7x:2x2x1
jax: 0.10.2.dev20260603
libtpu: 0.0.44.dev20260713+nightly
codegen_flags: <defaults>
</compile_context>

<pallas_src>
import functools

import jax
import jax.numpy as jnp
from jax import lax
from jax.experimental import pallas as pl
from jax.experimental.pallas import tpu as pltpu
from jax.experimental.pallas import tpu_sc as plsc

N = 10000
DIN = 128
DH = 64
E = 320000

NC = 2
NS = 16
NW = NC * NS
L = 16

NPAD = 10240
BLK = 1024
NBLK = NPAD // BLK
CW = 128
NCHUNK = 80
EW = NCHUNK * CW
EPAD = NW * EW
ROWS_PER_TILE = NPAD // NS


def _deg_body(dst_hbm, out_hbm, idx_v, deg_v):
    c = lax.axis_index("c")
    s = lax.axis_index("s")
    wid = s * NC + c
    zero16 = jnp.zeros((L,), jnp.float32)

    def zb(i, carry):
        deg_v[pl.ds(i * L, L)] = zero16
        return carry

    lax.fori_loop(0, NPAD // L, zb, 0)
    pltpu.sync_copy(dst_hbm.at[pl.ds(wid * EW, EW)], idx_v)
    ones16 = jnp.ones((L,), jnp.float32)

    def body(i, carry):
        idx16 = idx_v[pl.ds(i * L, L)]
        plsc.addupdate_scatter(deg_v, [idx16], ones16)
        return carry

    lax.fori_loop(0, EW // L, body, 0)
    pltpu.sync_copy(deg_v, out_hbm.at[wid])


def _deg_counts(dst_flat):
    mesh = plsc.VectorSubcoreMesh(
        core_axis_name="c", subcore_axis_name="s", num_cores=NC, num_subcores=NS)
    f = pl.kernel(
        _deg_body,
        out_type=jax.ShapeDtypeStruct((NW, NPAD), jnp.float32),
        mesh=mesh,
        scratch_types=[
            pltpu.VMEM((EW,), jnp.int32),
            pltpu.VMEM((NPAD,), jnp.float32),
        ],
        compiler_params=pltpu.CompilerParams(
            needs_layout_passes=False, use_tc_tiling_on_sc=False),
    )
    return f(dst_flat)


def _row_scale(dinv_row, a):
    n = dinv_row.shape[1]
    outs = []
    rr = lax.broadcasted_iota(jnp.int32, (128, 128), 0)
    qq = lax.broadcasted_iota(jnp.int32, (128, 128), 1)
    eye = rr == qq
    for r in range(n // 128):
        dsub = dinv_row[:, r * 128:(r + 1) * 128]
        dg = jnp.where(eye, jnp.broadcast_to(dsub, (128, 128)), 0.0)
        outs.append(jnp.dot(dg, a[r * 128:(r + 1) * 128],
                            preferred_element_type=jnp.float32))
    return jnp.concatenate(outs, axis=0)


def _k2_body(x_ref, w1_ref, degp_ref, ht_ref, dinv_ref):
    deg = jnp.sum(degp_ref[...], axis=0, keepdims=True) + 1.0
    dinv = lax.rsqrt(deg)
    dinv_ref[...] = dinv.reshape(1, 1, BLK)
    h = jnp.dot(x_ref[...], w1_ref[...], preferred_element_type=jnp.float32)
    ht_ref[...] = _row_scale(dinv, h)


def _scale_stage(x_pad, W1, deg_part):
    return pl.pallas_call(
        _k2_body,
        grid=(NBLK,),
        in_specs=[
            pl.BlockSpec((BLK, DIN), lambda i: (i, 0)),
            pl.BlockSpec((DIN, DH), lambda i: (0, 0)),
            pl.BlockSpec((NW, BLK), lambda i: (0, i)),
        ],
        out_specs=[
            pl.BlockSpec((BLK, DH), lambda i: (i, 0)),
            pl.BlockSpec((1, 1, BLK), lambda i: (i, 0, 0)),
        ],
        out_shape=[
            jax.ShapeDtypeStruct((NPAD, DH), jnp.float32),
            jax.ShapeDtypeStruct((NBLK, 1, BLK), jnp.float32),
        ],
        compiler_params=pltpu.CompilerParams(
            dimension_semantics=("arbitrary",)),
    )(x_pad, W1, deg_part)


def _edge_body(src_hbm, dst_hbm, ht_hbm, dinv_hbm, sagg_hbm, spart_hbm,
               src_v, dst_v, rows_v, dinv_v, s_v,
               g0, g1, g2, g3, s0, s1, s2, s3, agg_sh):
    c = lax.axis_index("c")
    s = lax.axis_index("s")
    wid = s * NC + c
    gsem = [g0, g1, g2, g3]
    ssem = [s0, s1, s2, s3]
    zero16 = jnp.zeros((L,), jnp.float32)

    def zrows(i, carry):
        rows_v[0, i // (DH // L), pl.ds((i % (DH // L)) * L, L)] = zero16
        return carry

    lax.fori_loop(0, CW * DH // L, zrows, 0)

    def zagg(j, carry):
        pltpu.sync_copy(rows_v.at[0],
                        agg_sh.at[pl.ds(s * ROWS_PER_TILE + j * CW, CW)])
        return carry

    lax.fori_loop(0, ROWS_PER_TILE // CW, zagg, 0)

    def zs(i, carry):
        s_v[pl.ds(i * L, L)] = zero16
        return carry

    lax.fori_loop(0, NPAD // L, zs, 0)
    pltpu.sync_copy(dinv_hbm, dinv_v)
    pltpu.sync_copy(src_hbm.at[pl.ds(wid * NCHUNK, NCHUNK)], src_v)
    pltpu.sync_copy(dst_hbm.at[pl.ds(wid * NCHUNK, NCHUNK)], dst_v)
    plsc.subcore_barrier()

    def gather(j, b):
        pltpu.async_copy(ht_hbm.at[src_v.at[j]], rows_v.at[b], gsem[b])

    def wait_gather(b):
        pltpu.make_async_copy(ht_hbm.at[src_v.at[0]], rows_v.at[b],
                              gsem[b]).wait()

    def scatter(j, b):
        pltpu.async_copy(rows_v.at[b], agg_sh.at[dst_v.at[j]], ssem[b],
                         add=True)

    def wait_scatter(b):
        pltpu.make_async_copy(rows_v.at[b], agg_sh.at[dst_v.at[0]],
                              ssem[b]).wait()

    def s_ops(j):
        def sv(i, c2):
            d16 = dst_v[j, pl.ds(i * L, L)]
            s16 = src_v[j, pl.ds(i * L, L)]
            vals = plsc.load_gather(dinv_v, [d16])
            plsc.addupdate_scatter(s_v, [s16], vals)
            return c2

        lax.fori_loop(0, CW // L, sv, 0)

    gather(0, 0)
    gather(1, 1)
    gather(2, 2)
    nq = NCHUNK // 4

    def quad(g, carry):
        j0 = 4 * g
        for kk in range(4):
            j = j0 + kk
            wait_gather(kk)
            scatter(j, kk)
            s_ops(j)
            nb = (kk + 3) % 4
            if kk == 0:
                @pl.when(g >= 1)
                def _():
                    wait_scatter(nb)

                gather(j + 3, nb)
            else:
                @pl.when(g < nq - 1)
                def _():
                    wait_scatter(nb)
                    gather(j + 3, nb)
        return carry

    lax.fori_loop(0, nq, quad, 0)
    for b in range(4):
        wait_scatter(b)

    pltpu.sync_copy(s_v, spart_hbm.at[wid])
    plsc.subcore_barrier()

    def drain(j, carry):
        r0 = s * ROWS_PER_TILE + j * CW
        pltpu.sync_copy(agg_sh.at[pl.ds(r0, CW)], rows_v.at[0])
        pltpu.sync_copy(rows_v.at[0], sagg_hbm.at[c, pl.ds(r0, CW)])
        return carry

    lax.fori_loop(0, ROWS_PER_TILE // CW, drain, 0)


def _edge_stage(src3d, dst3d, ht, dinv_flat):
    mesh = plsc.VectorSubcoreMesh(
        core_axis_name="c", subcore_axis_name="s", num_cores=NC, num_subcores=NS)
    f = pl.kernel(
        _edge_body,
        out_type=(
            jax.ShapeDtypeStruct((NC, NPAD, DH), jnp.float32),
            jax.ShapeDtypeStruct((NW, NPAD), jnp.float32),
        ),
        mesh=mesh,
        scratch_types=[
            pltpu.VMEM((NCHUNK, CW), jnp.int32),
            pltpu.VMEM((NCHUNK, CW), jnp.int32),
            pltpu.VMEM((4, CW, DH), jnp.float32),
            pltpu.VMEM((NPAD,), jnp.float32),
            pltpu.VMEM((NPAD,), jnp.float32),
            pltpu.SemaphoreType.DMA,
            pltpu.SemaphoreType.DMA,
            pltpu.SemaphoreType.DMA,
            pltpu.SemaphoreType.DMA,
            pltpu.SemaphoreType.DMA,
            pltpu.SemaphoreType.DMA,
            pltpu.SemaphoreType.DMA,
            pltpu.SemaphoreType.DMA,
            pltpu.VMEM_SHARED((NPAD, DH), jnp.float32),
        ],
        compiler_params=pltpu.CompilerParams(
            needs_layout_passes=False, use_tc_tiling_on_sc=False),
    )
    return f(src3d, dst3d, ht, dinv_flat)


def _k4_body(sagg_ref, ht_ref, dinv_ref, spart_ref, b1_ref, w2_ref,
             fcw_ref, fcb_ref, b2_ref, out_ref, acc_ref):
    i = pl.program_id(0)

    @pl.when(i == 0)
    def _():
        acc_ref[...] = jnp.zeros_like(acc_ref)

    dinv = dinv_ref[0]
    a = sagg_ref[0] + sagg_ref[1] + ht_ref[...]
    out1 = jnp.maximum(_row_scale(dinv, a) + b1_ref[...], 0.0)
    ssum = jnp.sum(spart_ref[...], axis=0, keepdims=True)
    lane = lax.broadcasted_iota(jnp.int32, (1, BLK), 1) + i * BLK
    cvec = jnp.where(lane < N, dinv * (ssum + dinv), 0.0)
    acc_ref[...] += jnp.dot(cvec, out1, preferred_element_type=jnp.float32)

    @pl.when(i == NBLK - 1)
    def _():
        g = jnp.dot(acc_ref[...] / N, w2_ref[...],
                    preferred_element_type=jnp.float32) + b2_ref[...]
        val = jnp.dot(g, fcw_ref[...],
                      preferred_element_type=jnp.float32) + fcb_ref[...]
        out_ref[...] = jax.nn.sigmoid(val)


def _final_stage(sagg, ht, dinv2d, spart, b1, W2, fc_w, fc_b, b2):
    return pl.pallas_call(
        _k4_body,
        grid=(NBLK,),
        in_specs=[
            pl.BlockSpec((NC, BLK, DH), lambda i: (0, i, 0)),
            pl.BlockSpec((BLK, DH), lambda i: (i, 0)),
            pl.BlockSpec((1, 1, BLK), lambda i: (i, 0, 0)),
            pl.BlockSpec((NW, BLK), lambda i: (0, i)),
            pl.BlockSpec((1, DH), lambda i: (0, 0)),
            pl.BlockSpec((DH, DH), lambda i: (0, 0)),
            pl.BlockSpec((DH, 1), lambda i: (0, 0)),
            pl.BlockSpec((1, 1), lambda i: (0, 0)),
            pl.BlockSpec((1, DH), lambda i: (0, 0)),
        ],
        out_specs=pl.BlockSpec((1, 1), lambda i: (0, 0)),
        out_shape=jax.ShapeDtypeStruct((1, 1), jnp.float32),
        scratch_shapes=[pltpu.VMEM((1, DH), jnp.float32)],
        compiler_params=pltpu.CompilerParams(
            dimension_semantics=("arbitrary",)),
    )(sagg, ht, dinv2d, spart, b1, W2, fc_w, fc_b, b2)


def kernel(x, edge_index, W1, b1, W2, b2, fc_w, fc_b):
    src = edge_index[0].astype(jnp.int32)
    dst = edge_index[1].astype(jnp.int32)
    pad = N + (jnp.arange(EPAD - E, dtype=jnp.int32) % (NPAD - N))
    src_p = jnp.concatenate([src, pad])
    dst_p = jnp.concatenate([dst, pad])
    src3d = src_p.reshape(NW * NCHUNK, CW)
    dst3d = dst_p.reshape(NW * NCHUNK, CW)

    x_pad = jnp.pad(x, ((0, NPAD - N), (0, 0)))

    deg_part = _deg_counts(dst_p)
    ht, dinv2d = _scale_stage(x_pad, W1, deg_part)
    sagg, spart = _edge_stage(src3d, dst3d, ht, dinv2d.reshape(NPAD))
    out = _final_stage(sagg, ht, dinv2d, spart,
                       b1.reshape(1, DH), W2, fc_w, fc_b.reshape(1, 1),
                       b2.reshape(1, DH))
    return out.reshape(1)

# --- scband reference (transcript-rebuilt; emitter-appended) ---
"""Pipeline reference for scband-simple-gnn-49941879717891 (READ-ONLY COPY).

The authoritative reference and input builder live on the scoring server;
editing this copy changes nothing except your own understanding.
"""

import jax, jax.numpy as jnp
import numpy as np

N = 10000
E = 320000
D_IN = 128
D_H = 64


def setup_inputs(seed: int = 0) -> dict:
    key = jax.random.key(seed)
    ks = jax.random.split(key, 8)
    x = jax.random.normal(ks[0], (N, D_IN), dtype=jnp.float32)
    edge_index = jax.random.randint(ks[1], (2, E), 0, N).astype(jnp.int64)
    W1 = jax.random.normal(ks[2], (D_IN, D_H), dtype=jnp.float32) * 0.05
    b1 = jnp.zeros((D_H,), dtype=jnp.float32)
    W2 = jax.random.normal(ks[3], (D_H, D_H), dtype=jnp.float32) * 0.05
    b2 = jnp.zeros((D_H,), dtype=jnp.float32)
    fc_w = jax.random.normal(ks[4], (D_H, 1), dtype=jnp.float32) * 0.05
    fc_b = jnp.zeros((1,), dtype=jnp.float32)
    return {"x": x, "edge_index": edge_index, "W1": W1, "b1": b1, "W2": W2, "b2": b2, "fc_w": fc_w, "fc_b": fc_b}


def _gcn_conv(x, edge_index, W, b):
    # GCNConv: x' = D^{-1/2} (A + I) D^{-1/2} (x W) + b
    src = edge_index[0]
    dst = edge_index[1]
    loop = jnp.arange(N, dtype=src.dtype)
    src = jnp.concatenate([src, loop])
    dst = jnp.concatenate([dst, loop])
    deg = jnp.zeros((N,), dtype=jnp.float32).at[dst].add(1.0)
    dinv = jnp.where(deg > 0, 1.0 / jnp.sqrt(deg), 0.0)
    norm = dinv[src] * dinv[dst]
    h = x @ W
    msg = h[src] * norm[:, None]
    out = jnp.zeros((N, W.shape[1]), dtype=jnp.float32).at[dst].add(msg)
    return out + b


def reference(x, edge_index, W1, b1, W2, b2, fc_w, fc_b):
    h = jax.nn.relu(_gcn_conv(x, edge_index, W1, b1))
    h = _gcn_conv(h, edge_index, W2, b2)
    g = h.mean(axis=0)
    out = g @ fc_w + fc_b
    return jax.nn.sigmoid(out)

if __name__ == "__main__":
    import jax
    _d = setup_inputs()
    print(jax.jit(kernel)(*tuple(_d.values())))

</pallas_src>

<mosaic_0001>
#map = affine_map<(d0, d1) -> (0)>
#map1 = affine_map<(d0, d1) -> (0, 0)>
module attributes {stable_mosaic.version = 14 : i64} {
  func.func @_deg_body(%arg0: i32, %arg1: i32, %arg2: memref<327680xi32, #tpu.memory_space<hbm>>, %arg3: memref<32x10240xf32, #tpu.memory_space<hbm>>, %arg4: memref<10240xi32, #tpu.memory_space<vmem>>, %arg5: memref<10240xf32, #tpu.memory_space<vmem>>) attributes {dimension_semantics = [#tpu.dimension_semantics<core_parallel>, #tpu.dimension_semantics<subcore_parallel>], iteration_bounds = array<i64: 2, 16>, scalar_prefetch = 0 : i64, scratch_operands = 2 : i64, tpu.core_type = #tpu.core_type<sc_vector_subcore>, window_params = [{transform_indices = #map}, {transform_indices = #map1}]} {
    %mul3A = arith.constant 2 : i32
    %mul3A_0 = arith.muli %arg1, %mul3A : i32
    %add3A = arith.addi %mul3A_0, %arg0 : i32
    %broadcast_in_dim3A = arith.constant 0.000000e+00 : f32
    %broadcast_in_dim3A_1 = vector.broadcast %broadcast_in_dim3A : f32 to vector<16xf32>
    %scan3A = arith.constant 0 : i32
    %scan3A_2 = arith.constant 0 : i32
    %scan3A_3 = arith.constant 640 : i32
    %scan3A_4 = arith.addi %scan3A_2, %scan3A_3 : i32
    %scan3A_5 = arith.constant 1 : i32
    scf.for %scan3A_17 = %scan3A_2 to %scan3A_4 step %scan3A_5  : i32 {
      %mul3A_18 = arith.constant 16 : i32
      %mul3A_19 = arith.muli %scan3A_17, %mul3A_18 : i32
      %swap3A = arith.index_cast %mul3A_19 : i32 to index
      %swap3A_20 = tpu.vector_load %arg5[%swap3A] {strides = array<i32>} : memref<10240xf32, #tpu.memory_space<vmem>>, vector<16xf32>,
      tpu.vector_store %arg5[%swap3A], %broadcast_in_dim3A_1 {strides = array<i32>} : memref<10240xf32, #tpu.memory_space<vmem>>, vector<16xf32>,
    }
    %scan3A_6 = arith.constant 640 : i32
    %mul3A_7 = arith.constant 10240 : i32
    %mul3A_8 = arith.muli %add3A, %mul3A_7 : i32
    "tpu.region"() ({
      %run_scoped3A = tpu.sem_alloc : memref<!tpu.dma_semaphore, #tpu.memory_space<semaphore_mem>>
      %dma_start3A = tpu.memref_slice %arg2[%mul3A_8] : memref<327680xi32, #tpu.memory_space<hbm>> -> memref<10240xi32, #tpu.memory_space<hbm>>
      %dma_start3A_17 = tpu.memref_slice %arg2[%mul3A_8] : memref<327680xi32, #tpu.memory_space<hbm>> -> memref<10240xi32, #tpu.memory_space<hbm>>
      tpu.enqueue_dma source(%dma_start3A_17 : memref<10240xi32, #tpu.memory_space<hbm>>) target(%arg4 : memref<10240xi32, #tpu.memory_space<vmem>>) target_semaphore(%run_scoped3A : memref<!tpu.dma_semaphore, #tpu.memory_space<semaphore_mem>>)
      %dma_wait3A = tpu.memref_slice %arg2[%mul3A_8] : memref<327680xi32, #tpu.memory_space<hbm>> -> memref<10240xi32, #tpu.memory_space<hbm>>
      %dma_wait3A_18 = tpu.memref_slice %arg2[%mul3A_8] : memref<327680xi32, #tpu.memory_space<hbm>> -> memref<10240xi32, #tpu.memory_space<hbm>>
      tpu.wait_dma2 semaphore(%run_scoped3A : memref<!tpu.dma_semaphore, #tpu.memory_space<semaphore_mem>>) src(%dma_wait3A_18 : memref<10240xi32, #tpu.memory_space<hbm>>) dst(%arg4 : memref<10240xi32, #tpu.memory_space<vmem>>)
      tpu.yield
    }) : () -> ()
    %broadcast_in_dim3A_9 = arith.constant 1.000000e+00 : f32
    %broadcast_in_dim3A_10 = vector.broadcast %broadcast_in_dim3A_9 : f32 to vector<16xf32>
    %scan3A_11 = arith.constant 0 : i32
    %scan3A_12 = arith.constant 0 : i32
    %scan3A_13 = arith.constant 640 : i32
    %scan3A_14 = arith.addi %scan3A_12, %scan3A_13 : i32
    %scan3A_15 = arith.constant 1 : i32
    scf.for %scan3A_17 = %scan3A_12 to %scan3A_14 step %scan3A_15  : i32 {
      %mul3A_18 = arith.constant 16 : i32
      %mul3A_19 = arith.muli %scan3A_17, %mul3A_18 : i32
      %get3A = arith.index_cast %mul3A_19 : i32 to index
      %get3A_20 = tpu.vector_load %arg4[%get3A] {strides = array<i32>} : memref<10240xi32, #tpu.memory_space<vmem>>, vector<16xi32>,
      tpu.vector_store_idx %arg5[%get3A_20], %broadcast_in_dim3A_10 {add = true} : memref<10240xf32, #tpu.memory_space<vmem>>[vector<16xi32>], vector<16xf32>,
    }
    %scan3A_16 = arith.constant 640 : i32
    "tpu.region"() ({
      %run_scoped3A = tpu.sem_alloc : memref<!tpu.dma_semaphore, #tpu.memory_space<semaphore_mem>>
      %dma_start3A = arith.constant 0 : i32
      %dma_start3A_17 = tpu.memref_slice %arg3[%add3A, %dma_start3A] : memref<32x10240xf32, #tpu.memory_space<hbm>> -> memref<1x10240xf32, #tpu.memory_space<hbm>>
      %dma_start3A_18 = tpu.memref_squeeze %dma_start3A_17 : memref<1x10240xf32, #tpu.memory_space<hbm>> -> memref<10240xf32, #tpu.memory_space<hbm>>
      %dma_start3A_19 = arith.constant 0 : i32
      %dma_start3A_20 = tpu.memref_slice %arg3[%add3A, %dma_start3A_19] : memref<32x10240xf32, #tpu.memory_space<hbm>> -> memref<1x10240xf32, #tpu.memory_space<hbm>>
      %dma_start3A_21 = tpu.memref_squeeze %dma_start3A_20 : memref<1x10240xf32, #tpu.memory_space<hbm>> -> memref<10240xf32, #tpu.memory_space<hbm>>
      tpu.enqueue_dma source(%arg5 : memref<10240xf32, #tpu.memory_space<vmem>>) target(%dma_start3A_21 : memref<10240xf32, #tpu.memory_space<hbm>>) target_semaphore(%run_scoped3A : memref<!tpu.dma_semaphore, #tpu.memory_space<semaphore_mem>>)
      %dma_wait3A = arith.constant 0 : i32
      %dma_wait3A_22 = tpu.memref_slice %arg3[%add3A, %dma_wait3A] : memref<32x10240xf32, #tpu.memory_space<hbm>> -> memref<1x10240xf32, #tpu.memory_space<hbm>>
      %dma_wait3A_23 = tpu.memref_squeeze %dma_wait3A_22 : memref<1x10240xf32, #tpu.memory_space<hbm>> -> memref<10240xf32, #tpu.memory_space<hbm>>
      %dma_wait3A_24 = arith.constant 0 : i32
      %dma_wait3A_25 = tpu.memref_slice %arg3[%add3A, %dma_wait3A_24] : memref<32x10240xf32, #tpu.memory_space<hbm>> -> memref<1x10240xf32, #tpu.memory_space<hbm>>
      %dma_wait3A_26 = tpu.memref_squeeze %dma_wait3A_25 : memref<1x10240xf32, #tpu.memory_space<hbm>> -> memref<10240xf32, #tpu.memory_space<hbm>>
      tpu.wait_dma2 semaphore(%run_scoped3A : memref<!tpu.dma_semaphore, #tpu.memory_space<semaphore_mem>>) src(%arg5 : memref<10240xf32, #tpu.memory_space<vmem>>) dst(%dma_wait3A_26 : memref<10240xf32, #tpu.memory_space<hbm>>)
      tpu.yield
    }) : () -> ()
    return
  }
}

#map = affine_map<(d0, d1) -> (0, 0)>
#map1 = affine_map<(d0, d1) -> (0)>
#map2 = affine_map<(d0, d1) -> (0, 0, 0)>
module attributes {stable_mosaic.version = 14 : i64} {
  func.func @_edge_body(%arg0: i32, %arg1: i32, %arg2: memref<2560x128xi32, #tpu.memory_space<hbm>>, %arg3: memref<2560x128xi32, #tpu.memory_space<hbm>>, %arg4: memref<10240x64xf32, #tpu.memory_space<hbm>>, %arg5: memref<10240xf32, #tpu.memory_space<hbm>>, %arg6: memref<2x10240x64xf32, #tpu.memory_space<hbm>>, %arg7: memref<32x10240xf32, #tpu.memory_space<hbm>>, %arg8: memref<80x128xi32, #tpu.memory_space<vmem>>, %arg9: memref<80x128xi32, #tpu.memory_space<vmem>>, %arg10: memref<4x128x64xf32, #tpu.memory_space<vmem>>, %arg11: memref<10240xf32, #tpu.memory_space<vmem>>, %arg12: memref<10240xf32, #tpu.memory_space<vmem>>, %arg13: memref<!tpu.dma_semaphore, #tpu.memory_space<semaphore_mem>>, %arg14: memref<!tpu.dma_semaphore, #tpu.memory_space<semaphore_mem>>, %arg15: memref<!tpu.dma_semaphore, #tpu.memory_space<semaphore_mem>>, %arg16: memref<!tpu.dma_semaphore, #tpu.memory_space<semaphore_mem>>, %arg17: memref<!tpu.dma_semaphore, #tpu.memory_space<semaphore_mem>>, %arg18: memref<!tpu.dma_semaphore, #tpu.memory_space<semaphore_mem>>, %arg19: memref<!tpu.dma_semaphore, #tpu.memory_space<semaphore_mem>>, %arg20: memref<!tpu.dma_semaphore, #tpu.memory_space<semaphore_mem>>, %arg21: memref<10240x64xf32, #tpu.memory_space<vmem_shared>>) attributes {dimension_semantics = [#tpu.dimension_semantics<core_parallel>, #tpu.dimension_semantics<subcore_parallel>], iteration_bounds = array<i64: 2, 16>, scalar_prefetch = 0 : i64, scratch_operands = 14 : i64, tpu.core_type = #tpu.core_type<sc_vector_subcore>, window_params = [{transform_indices = #map}, {transform_indices = #map}, {transform_indices = #map}, {transform_indices = #map1}, {transform_indices = #map2}, {transform_indices = #map}]} {
    %mul3A = arith.constant 2 : i32
    %mul3A_0 = arith.muli %arg1, %mul3A : i32
    %add3A = arith.addi %mul3A_0, %arg0 : i32
    %broadcast_in_dim3A = arith.constant 0.000000e+00 : f32
    %broadcast_in_dim3A_1 = vector.broadcast %broadcast_in_dim3A : f32 to vector<16xf32>
    %scan3A = arith.constant 0 : i32
    %scan3A_2 = arith.constant 0 : i32
    %scan3A_3 = arith.constant 512 : i32
    %scan3A_4 = arith.addi %scan3A_2, %scan3A_3 : i32
    %scan3A_5 = arith.constant 1 : i32
    scf.for %scan3A_118 = %scan3A_2 to %scan3A_4 step %scan3A_5  : i32 {
      %jit3A = arith.constant 4 : i32
      %div3A = arith.divsi %scan3A_118, %jit3A : i32
      %sign3A = arith.constant 0 : i32
      %sign3A_119 = arith.cmpi sgt, %scan3A_118, %sign3A : i32
      %sign3A_120 = arith.extui %sign3A_119 : i1 to i32
      %sign3A_121 = arith.constant 0 : i32
      %sign3A_122 = arith.cmpi slt, %scan3A_118, %sign3A_121 : i32
      %sign3A_123 = arith.extui %sign3A_122 : i1 to i32
      %sign3A_124 = arith.subi %sign3A_120, %sign3A_123 : i32
      %sign3A_125 = arith.constant 0 : i32
      %sign3A_126 = arith.cmpi sgt, %jit3A, %sign3A_125 : i32
      %sign3A_127 = arith.extui %sign3A_126 : i1 to i32
      %sign3A_128 = arith.constant 0 : i32
      %sign3A_129 = arith.cmpi slt, %jit3A, %sign3A_128 : i32
      %sign3A_130 = arith.extui %sign3A_129 : i1 to i32
      %sign3A_131 = arith.subi %sign3A_127, %sign3A_130 : i32
      %ne3A = arith.cmpi ne, %sign3A_124, %sign3A_131 : i32
      %rem3A = arith.remsi %scan3A_118, %jit3A : i32
      %ne3A_132 = arith.constant 0 : i32
      %ne3A_133 = arith.cmpi ne, %rem3A, %ne3A_132 : i32
      %and3A = arith.andi %ne3A, %ne3A_133 : i1
      %sub3A = arith.constant 1 : i32
      %sub3A_134 = arith.subi %div3A, %sub3A : i32
      %select_n3A = arith.select %and3A, %sub3A_134, %div3A : i32
      %jit3A_135 = arith.constant 4 : i32
      %eq3A = arith.constant 0 : i32
      %eq3A_136 = arith.cmpi eq, %jit3A_135, %eq3A : i32
      %jit3A_137 = arith.constant 1 : i32
      %select_n3A_138 = arith.select %eq3A_136, %jit3A_137, %jit3A_135 : i32
      %rem3A_139 = arith.remsi %scan3A_118, %select_n3A_138 : i32
      %ne3A_140 = arith.constant 0 : i32
      %ne3A_141 = arith.cmpi ne, %rem3A_139, %ne3A_140 : i32
      %lt3A = arith.constant 0 : i32
      %lt3A_142 = arith.cmpi slt, %rem3A_139, %lt3A : i32
      %lt3A_143 = arith.constant 0 : i32
      %lt3A_144 = arith.cmpi slt, %select_n3A_138, %lt3A_143 : i32
      %ne3A_145 = arith.xori %lt3A_142, %lt3A_144 : i1
      %and3A_146 = arith.andi %ne3A_145, %ne3A_141 : i1
      %add3A_147 = arith.addi %rem3A_139, %select_n3A_138 : i32
      %select_n3A_148 = arith.select %and3A_146, %add3A_147, %rem3A_139 : i32
      %mul3A_149 = arith.constant 16 : i32
      %mul3A_150 = arith.muli %select_n3A_148, %mul3A_149 : i32
      %swap3A = arith.constant 0 : i32
      %swap3A_151 = arith.index_cast %swap3A : i32 to index
      %swap3A_152 = arith.index_cast %select_n3A : i32 to index
      %swap3A_153 = arith.index_cast %mul3A_150 : i32 to index
      %swap3A_154 = tpu.vector_load %arg10[%swap3A_151, %swap3A_152, %swap3A_153] {strides = array<i32>} : memref<4x128x64xf32, #tpu.memory_space<vmem>>, vector<16xf32>,
      tpu.vector_store %arg10[%swap3A_151, %swap3A_152, %swap3A_153], %broadcast_in_dim3A_1 {strides = array<i32>} : memref<4x128x64xf32, #tpu.memory_space<vmem>>, vector<16xf32>,
    }
    %scan3A_6 = arith.constant 512 : i32
    %scan3A_7 = arith.constant 0 : i32
    %scan3A_8 = arith.constant 0 : i32
    %scan3A_9 = arith.constant 5 : i32
    %scan3A_10 = arith.addi %scan3A_8, %scan3A_9 : i32
    %scan3A_11 = arith.constant 1 : i32
    scf.for %scan3A_118 = %scan3A_8 to %scan3A_10 step %scan3A_11  : i32 {
      %mul3A_119 = arith.constant 640 : i32
      %mul3A_120 = arith.muli %arg1, %mul3A_119 : i32
      %mul3A_121 = arith.constant 128 : i32
      %mul3A_122 = arith.muli %scan3A_118, %mul3A_121 : i32
      %add3A_123 = arith.addi %mul3A_120, %mul3A_122 : i32
      %run_scoped3A = arith.constant 0 : i32
      "tpu.region"() ({
        %run_scoped3A_124 = tpu.sem_alloc : memref<!tpu.dma_semaphore, #tpu.memory_space<semaphore_mem>>
        %dma_start3A_125 = arith.constant 0 : i32
        %dma_start3A_126 = arith.constant 0 : i32
        %dma_start3A_127 = tpu.memref_slice %arg10[%run_scoped3A, %dma_start3A_125, %dma_start3A_126] : memref<4x128x64xf32, #tpu.memory_space<vmem>> -> memref<1x128x64xf32, #tpu.memory_space<vmem>>
        %dma_start3A_128 = tpu.memref_squeeze %dma_start3A_127 : memref<1x128x64xf32, #tpu.memory_space<vmem>> -> memref<128x64xf32, #tpu.memory_space<vmem>>
        %dma_start3A_129 = arith.constant 0 : i32
        %dma_start3A_130 = tpu.memref_slice %arg21[%add3A_123, %dma_start3A_129] : memref<10240x64xf32, #tpu.memory_space<vmem_shared>> -> memref<128x64xf32, #tpu.memory_space<vmem_shared>>
        %dma_start3A_131 = arith.constant 0 : i32
        %dma_start3A_132 = tpu.memref_slice %arg21[%add3A_123, %dma_start3A_131] : memref<10240x64xf32, #tpu.memory_space<vmem_shared>> -> memref<128x64xf32, #tpu.memory_space<vmem_shared>>
        %dma_start3A_133 = arith.constant 0 : i32
        %dma_start3A_134 = arith.constant 0 : i32
        %dma_start3A_135 = tpu.memref_slice %arg10[%run_scoped3A, %dma_start3A_133, %dma_start3A_134] : memref<4x128x64xf32, #tpu.memory_space<vmem>> -> memref<1x128x64xf32, #tpu.memory_space<vmem>>
        %dma_start3A_136 = tpu.memref_squeeze %dma_start3A_135 : memref<1x128x64xf32, #tpu.memory_space<vmem>> -> memref<128x64xf32, #tpu.memory_space<vmem>>
        tpu.enqueue_dma source(%dma_start3A_136 : memref<128x64xf32, #tpu.memory_space<vmem>>) target(%dma_start3A_132 : memref<128x64xf32, #tpu.memory_space<vmem_shared>>) target_semaphore(%run_scoped3A_124 : memref<!tpu.dma_semaphore, #tpu.memory_space<semaphore_mem>>)
        %dma_wait3A_137 = arith.constant 0 : i32
        %dma_wait3A_138 = arith.constant 0 : i32
        %dma_wait3A_139 = tpu.memref_slice %arg10[%run_scoped3A, %dma_wait3A_137, %dma_wait3A_138] : memref<4x128x64xf32, #tpu.memory_space<vmem>> -> memref<1x128x64xf32, #tpu.memory_space<vmem>>
        %dma_wait3A_140 = tpu.memref_squeeze %dma_wait3A_139 : memref<1x128x64xf32, #tpu.memory_space<vmem>> -> memref<128x64xf32, #tpu.memory_space<vmem>>
        %dma_wait3A_141 = arith.constant 0 : i32
        %dma_wait3A_142 = tpu.memref_slice %arg21[%add3A_123, %dma_wait3A_141] : memref<10240x64xf32, #tpu.memory_space<vmem_shared>> -> memref<128x64xf32, #tpu.memory_space<vmem_shared>>
        %dma_wait3A_143 = arith.constant 0 : i32
        %dma_wait3A_144 = tpu.memref_slice %arg21[%add3A_123, %dma_wait3A_143] : memref<10240x64xf32, #tpu.memory_space<vmem_shared>> -> memref<128x64xf32, #tpu.memory_space<vmem_shared>>
        %dma_wait3A_145 = arith.constant 0 : i32
        %dma_wait3A_146 = arith.constant 0 : i32
        %dma_wait3A_147 = tpu.memref_slice %arg10[%run_scoped3A, %dma_wait3A_145, %dma_wait3A_146] : memref<4x128x64xf32, #tpu.memory_space<vmem>> -> memref<1x128x64xf32, #tpu.memory_space<vmem>>
        %dma_wait3A_148 = tpu.memref_squeeze %dma_wait3A_147 : memref<1x128x64xf32, #tpu.memory_space<vmem>> -> memref<128x64xf32, #tpu.memory_space<vmem>>
        tpu.wait_dma2 semaphore(%run_scoped3A_124 : memref<!tpu.dma_semaphore, #tpu.memory_space<semaphore_mem>>) src(%dma_wait3A_148 : memref<128x64xf32, #tpu.memory_space<vmem>>) dst(%dma_wait3A_144 : memref<128x64xf32, #tpu.memory_space<vmem_shared>>)
        tpu.yield
      }) : () -> ()
    }
    %scan3A_12 = arith.constant 5 : i32
    %scan3A_13 = arith.constant 0 : i32
    %scan3A_14 = arith.constant 0 : i32
    %scan3A_15 = arith.constant 640 : i32
    %scan3A_16 = arith.addi %scan3A_14, %scan3A_15 : i32
    %scan3A_17 = arith.constant 1 : i32
    scf.for %scan3A_118 = %scan3A_14 to %scan3A_16 step %scan3A_17  : i32 {
      %mul3A_119 = arith.constant 16 : i32
      %mul3A_120 = arith.muli %scan3A_118, %mul3A_119 : i32
      %swap3A = arith.index_cast %mul3A_120 : i32 to index
      %swap3A_121 = tpu.vector_load %arg12[%swap3A] {strides = array<i32>} : memref<10240xf32, #tpu.memory_space<vmem>>, vector<16xf32>,
      tpu.vector_store %arg12[%swap3A], %broadcast_in_dim3A_1 {strides = array<i32>} : memref<10240xf32, #tpu.memory_space<vmem>>, vector<16xf32>,
    }
    %scan3A_18 = arith.constant 640 : i32
    "tpu.region"() ({
      %run_scoped3A = tpu.sem_alloc : memref<!tpu.dma_semaphore, #tpu.memory_space<semaphore_mem>>
      tpu.enqueue_dma source(%arg5 : memref<10240xf32, #tpu.memory_space<hbm>>) target(%arg11 : memref<10240xf32, #tpu.memory_space<vmem>>) target_semaphore(%run_scoped3A : memref<!tpu.dma_semaphore, #tpu.memory_space<semaphore_mem>>)
      tpu.wait_dma2 semaphore(%run_scoped3A : memref<!tpu.dma_semaphore, #tpu.memory_space<semaphore_mem>>) src(%arg5 : memref<10240xf32, #tpu.memory_space<hbm>>) dst(%arg11 : memref<10240xf32, #tpu.memory_space<vmem>>)
      tpu.yield
    }) : () -> ()
    %mul3A_19 = arith.constant 80 : i32
    %mul3A_20 = arith.muli %add3A, %mul3A_19 : i32
    "tpu.region"() ({
      %run_scoped3A = tpu.sem_alloc : memref<!tpu.dma_semaphore, #tpu.memory_space<semaphore_mem>>
      %dma_start3A_118 = arith.constant 0 : i32
      %dma_start3A_119 = tpu.memref_slice %arg2[%mul3A_20, %dma_start3A_118] : memref<2560x128xi32, #tpu.memory_space<hbm>> -> memref<80x128xi32, #tpu.memory_space<hbm>>
      %dma_start3A_120 = arith.constant 0 : i32
      %dma_start3A_121 = tpu.memref_slice %arg2[%mul3A_20, %dma_start3A_120] : memref<2560x128xi32, #tpu.memory_space<hbm>> -> memref<80x128xi32, #tpu.memory_space<hbm>>
      tpu.enqueue_dma source(%dma_start3A_121 : memref<80x128xi32, #tpu.memory_space<hbm>>) target(%arg8 : memref<80x128xi32, #tpu.memory_space<vmem>>) target_semaphore(%run_scoped3A : memref<!tpu.dma_semaphore, #tpu.memory_space<semaphore_mem>>)
      %dma_wait3A_122 = arith.constant 0 : i32
      %dma_wait3A_123 = tpu.memref_slice %arg2[%mul3A_20, %dma_wait3A_122] : memref<2560x128xi32, #tpu.memory_space<hbm>> -> memref<80x128xi32, #tpu.memory_space<hbm>>
      %dma_wait3A_124 = arith.constant 0 : i32
      %dma_wait3A_125 = tpu.memref_slice %arg2[%mul3A_20, %dma_wait3A_124] : memref<2560x128xi32, #tpu.memory_space<hbm>> -> memref<80x128xi32, #tpu.memory_space<hbm>>
      tpu.wait_dma2 semaphore(%run_scoped3A : memref<!tpu.dma_semaphore, #tpu.memory_space<semaphore_mem>>) src(%dma_wait3A_125 : memref<80x128xi32, #tpu.memory_space<hbm>>) dst(%arg8 : memref<80x128xi32, #tpu.memory_space<vmem>>)
      tpu.yield
    }) : () -> ()
    %mul3A_21 = arith.constant 80 : i32
    %mul3A_22 = arith.muli %add3A, %mul3A_21 : i32
    "tpu.region"() ({
      %run_scoped3A = tpu.sem_alloc : memref<!tpu.dma_semaphore, #tpu.memory_space<semaphore_mem>>
      %dma_start3A_118 = arith.constant 0 : i32
      %dma_start3A_119 = tpu.memref_slice %arg3[%mul3A_22, %dma_start3A_118] : memref<2560x128xi32, #tpu.memory_space<hbm>> -> memref<80x128xi32, #tpu.memory_space<hbm>>
      %dma_start3A_120 = arith.constant 0 : i32
      %dma_start3A_121 = tpu.memref_slice %arg3[%mul3A_22, %dma_start3A_120] : memref<2560x128xi32, #tpu.memory_space<hbm>> -> memref<80x128xi32, #tpu.memory_space<hbm>>
      tpu.enqueue_dma source(%dma_start3A_121 : memref<80x128xi32, #tpu.memory_space<hbm>>) target(%arg9 : memref<80x128xi32, #tpu.memory_space<vmem>>) target_semaphore(%run_scoped3A : memref<!tpu.dma_semaphore, #tpu.memory_space<semaphore_mem>>)
      %dma_wait3A_122 = arith.constant 0 : i32
      %dma_wait3A_123 = tpu.memref_slice %arg3[%mul3A_22, %dma_wait3A_122] : memref<2560x128xi32, #tpu.memory_space<hbm>> -> memref<80x128xi32, #tpu.memory_space<hbm>>
      %dma_wait3A_124 = arith.constant 0 : i32
      %dma_wait3A_125 = tpu.memref_slice %arg3[%mul3A_22, %dma_wait3A_124] : memref<2560x128xi32, #tpu.memory_space<hbm>> -> memref<80x128xi32, #tpu.memory_space<hbm>>
      tpu.wait_dma2 semaphore(%run_scoped3A : memref<!tpu.dma_semaphore, #tpu.memory_space<semaphore_mem>>) src(%dma_wait3A_125 : memref<80x128xi32, #tpu.memory_space<hbm>>) dst(%arg9 : memref<80x128xi32, #tpu.memory_space<vmem>>)
      tpu.yield
    }) : () -> ()
    %barrier3A = arith.constant 0 : index
    tpu.barrier barrier_id(%barrier3A)
    %dma_start3A = arith.constant 0 : i32
    %dma_start3A_23 = arith.constant 0 : i32
    %dma_start3A_24 = arith.constant 0 : i32
    %dma_start3A_25 = arith.constant 0 : i32
    %dma_start3A_26 = tpu.memref_slice %arg10[%dma_start3A_23, %dma_start3A_24, %dma_start3A_25] : memref<4x128x64xf32, #tpu.memory_space<vmem>> -> memref<1x128x64xf32, #tpu.memory_space<vmem>>
    %dma_start3A_27 = tpu.memref_squeeze %dma_start3A_26 : memref<1x128x64xf32, #tpu.memory_space<vmem>> -> memref<128x64xf32, #tpu.memory_space<vmem>>
    %dma_start3A_28 = arith.constant 0 : i32
    %dma_start3A_29 = tpu.memref_slice %arg8[%dma_start3A, %dma_start3A_28] : memref<80x128xi32, #tpu.memory_space<vmem>> -> memref<1x128xi32, #tpu.memory_space<vmem>>
    %dma_start3A_30 = tpu.memref_squeeze %dma_start3A_29 : memref<1x128xi32, #tpu.memory_space<vmem>> -> memref<128xi32, #tpu.memory_space<vmem>>
    %dma_start3A_31 = arith.constant 0 : i32
    %dma_start3A_32 = arith.constant 0 : i32
    %dma_start3A_33 = tpu.memref_slice %arg4[%dma_start3A_31, %dma_start3A_32] : memref<10240x64xf32, #tpu.memory_space<hbm>> -> memref<10240x64xf32, #tpu.memory_space<hbm>>
    tpu.enqueue_indirect_dma source(%dma_start3A_33 : memref<10240x64xf32, #tpu.memory_space<hbm>>) target(%dma_start3A_27 : memref<128x64xf32, #tpu.memory_space<vmem>>) offsets(%dma_start3A_30 : memref<128xi32, #tpu.memory_space<vmem>>) semaphore(%arg13 : memref<!tpu.dma_semaphore, #tpu.memory_space<semaphore_mem>>)
    %dma_start3A_34 = arith.constant 1 : i32
    %dma_start3A_35 = arith.constant 1 : i32
    %dma_start3A_36 = arith.constant 0 : i32
    %dma_start3A_37 = arith.constant 0 : i32
    %dma_start3A_38 = tpu.memref_slice %arg10[%dma_start3A_35, %dma_start3A_36, %dma_start3A_37] : memref<4x128x64xf32, #tpu.memory_space<vmem>> -> memref<1x128x64xf32, #tpu.memory_space<vmem>>
    %dma_start3A_39 = tpu.memref_squeeze %dma_start3A_38 : memref<1x128x64xf32, #tpu.memory_space<vmem>> -> memref<128x64xf32, #tpu.memory_space<vmem>>
    %dma_start3A_40 = arith.constant 0 : i32
    %dma_start3A_41 = tpu.memref_slice %arg8[%dma_start3A_34, %dma_start3A_40] : memref<80x128xi32, #tpu.memory_space<vmem>> -> memref<1x128xi32, #tpu.memory_space<vmem>>
    %dma_start3A_42 = tpu.memref_squeeze %dma_start3A_41 : memref<1x128xi32, #tpu.memory_space<vmem>> -> memref<128xi32, #tpu.memory_space<vmem>>
    %dma_start3A_43 = arith.constant 0 : i32
    %dma_start3A_44 = arith.constant 0 : i32
    %dma_start3A_45 = tpu.memref_slice %arg4[%dma_start3A_43, %dma_start3A_44] : memref<10240x64xf32, #tpu.memory_space<hbm>> -> memref<10240x64xf32, #tpu.memory_space<hbm>>
    tpu.enqueue_indirect_dma source(%dma_start3A_45 : memref<10240x64xf32, #tpu.memory_space<hbm>>) target(%dma_start3A_39 : memref<128x64xf32, #tpu.memory_space<vmem>>) offsets(%dma_start3A_42 : memref<128xi32, #tpu.memory_space<vmem>>) semaphore(%arg14 : memref<!tpu.dma_semaphore, #tpu.memory_space<semaphore_mem>>)
    %dma_start3A_46 = arith.constant 2 : i32
    %dma_start3A_47 = arith.constant 2 : i32
    %dma_start3A_48 = arith.constant 0 : i32
    %dma_start3A_49 = arith.constant 0 : i32
    %dma_start3A_50 = tpu.memref_slice %arg10[%dma_start3A_47, %dma_start3A_48, %dma_start3A_49] : memref<4x128x64xf32, #tpu.memory_space<vmem>> -> memref<1x128x64xf32, #tpu.memory_space<vmem>>
    %dma_start3A_51 = tpu.memref_squeeze %dma_start3A_50 : memref<1x128x64xf32, #tpu.memory_space<vmem>> -> memref<128x64xf32, #tpu.memory_space<vmem>>
    %dma_start3A_52 = arith.constant 0 : i32
    %dma_start3A_53 = tpu.memref_slice %arg8[%dma_start3A_46, %dma_start3A_52] : memref<80x128xi32, #tpu.memory_space<vmem>> -> memref<1x128xi32, #tpu.memory_space<vmem>>
    %dma_start3A_54 = tpu.memref_squeeze %dma_start3A_53 : memref<1x128xi32, #tpu.memory_space<vmem>> -> memref<128xi32, #tpu.memory_space<vmem>>
    %dma_start3A_55 = arith.constant 0 : i32
    %dma_start3A_56 = arith.constant 0 : i32
    %dma_start3A_57 = tpu.memref_slice %arg4[%dma_start3A_55, %dma_start3A_56] : memref<10240x64xf32, #tpu.memory_space<hbm>> -> memref<10240x64xf32, #tpu.memory_space<hbm>>
    tpu.enqueue_indirect_dma source(%dma_start3A_57 : memref<10240x64xf32, #tpu.memory_space<hbm>>) target(%dma_start3A_51 : memref<128x64xf32, #tpu.memory_space<vmem>>) offsets(%dma_start3A_54 : memref<128xi32, #tpu.memory_space<vmem>>) semaphore(%arg15 : memref<!tpu.dma_semaphore, #tpu.memory_space<semaphore_mem>>)
    %scan3A_58 = arith.constant 0 : i32
    %scan3A_59 = arith.constant 0 : i32
    %scan3A_60 = arith.constant 20 : i32
    %scan3A_61 = arith.addi %scan3A_59, %scan3A_60 : i32
    %scan3A_62 = arith.constant 1 : i32
    scf.for %scan3A_118 = %scan3A_59 to %scan3A_61 step %scan3A_62  : i32 {
      %mul3A_119 = arith.constant 4 : i32
      %mul3A_120 = arith.muli %mul3A_119, %scan3A_118 : i32
      %add3A_121 = arith.constant 0 : i32
      %add3A_122 = arith.addi %mul3A_120, %add3A_121 : i32
      %dma_wait3A_123 = arith.constant 0 : i32
      %dma_wait3A_124 = arith.constant 0 : i32
      %dma_wait3A_125 = arith.constant 0 : i32
      %dma_wait3A_126 = arith.constant 0 : i32
      %dma_wait3A_127 = tpu.memref_slice %arg10[%dma_wait3A_124, %dma_wait3A_125, %dma_wait3A_126] : memref<4x128x64xf32, #tpu.memory_space<vmem>> -> memref<1x128x64xf32, #tpu.memory_space<vmem>>
      %dma_wait3A_128 = tpu.memref_squeeze %dma_wait3A_127 : memref<1x128x64xf32, #tpu.memory_space<vmem>> -> memref<128x64xf32, #tpu.memory_space<vmem>>
      %dma_wait3A_129 = arith.constant 0 : i32
      %dma_wait3A_130 = tpu.memref_slice %arg8[%dma_wait3A_123, %dma_wait3A_129] : memref<80x128xi32, #tpu.memory_space<vmem>> -> memref<1x128xi32, #tpu.memory_space<vmem>>
      %dma_wait3A_131 = tpu.memref_squeeze %dma_wait3A_130 : memref<1x128xi32, #tpu.memory_space<vmem>> -> memref<128xi32, #tpu.memory_space<vmem>>
      %dma_wait3A_132 = arith.constant 0 : i32
      %dma_wait3A_133 = arith.constant 0 : i32
      %dma_wait3A_134 = tpu.memref_slice %arg4[%dma_wait3A_132, %dma_wait3A_133] : memref<10240x64xf32, #tpu.memory_space<hbm>> -> memref<10240x64xf32, #tpu.memory_space<hbm>>
      tpu.wait_indirect_dma semaphore(%arg13 : memref<!tpu.dma_semaphore, #tpu.memory_space<semaphore_mem>>) src(%dma_wait3A_134 : memref<10240x64xf32, #tpu.memory_space<hbm>>) dst(%dma_wait3A_128 : memref<128x64xf32, #tpu.memory_space<vmem>>)
      %dma_start3A_135 = arith.constant 0 : i32
      %dma_start3A_136 = arith.constant 0 : i32
      %dma_start3A_137 = arith.constant 0 : i32
      %dma_start3A_138 = tpu.memref_slice %arg10[%dma_start3A_135, %dma_start3A_136, %dma_start3A_137] : memref<4x128x64xf32, #tpu.memory_space<vmem>> -> memref<1x128x64xf32, #tpu.memory_space<vmem>>
      %dma_start3A_139 = tpu.memref_squeeze %dma_start3A_138 : memref<1x128x64xf32, #tpu.memory_space<vmem>> -> memref<128x64xf32, #tpu.memory_space<vmem>>
      %dma_start3A_140 = arith.constant 0 : i32
      %dma_start3A_141 = tpu.memref_slice %arg9[%add3A_122, %dma_start3A_140] : memref<80x128xi32, #tpu.memory_space<vmem>> -> memref<1x128xi32, #tpu.memory_space<vmem>>
      %dma_start3A_142 = tpu.memref_squeeze %dma_start3A_141 : memref<1x128xi32, #tpu.memory_space<vmem>> -> memref<128xi32, #tpu.memory_space<vmem>>
      %dma_start3A_143 = arith.constant 0 : i32
      %dma_start3A_144 = arith.constant 0 : i32
      %dma_start3A_145 = tpu.memref_slice %arg21[%dma_start3A_143, %dma_start3A_144] : memref<10240x64xf32, #tpu.memory_space<vmem_shared>> -> memref<10240x64xf32, #tpu.memory_space<vmem_shared>>
      tpu.enqueue_indirect_dma source(%dma_start3A_139 : memref<128x64xf32, #tpu.memory_space<vmem>>) target(%dma_start3A_145 : memref<10240x64xf32, #tpu.memory_space<vmem_shared>>) offsets(%dma_start3A_142 : memref<128xi32, #tpu.memory_space<vmem>>) semaphore(%arg17 : memref<!tpu.dma_semaphore, #tpu.memory_space<semaphore_mem>>) {add = true}
      %scan3A_146 = arith.constant 0 : i32
      %scan3A_147 = arith.constant 0 : i32
      %scan3A_148 = arith.constant 8 : i32
      %scan3A_149 = arith.addi %scan3A_147, %scan3A_148 : i32
      %scan3A_150 = arith.constant 1 : i32
      scf.for %scan3A_274 = %scan3A_147 to %scan3A_149 step %scan3A_150  : i32 {
        %mul3A_275 = arith.constant 16 : i32
        %mul3A_276 = arith.muli %scan3A_274, %mul3A_275 : i32
        %get3A = arith.index_cast %add3A_122 : i32 to index
        %get3A_277 = arith.index_cast %mul3A_276 : i32 to index
        %get3A_278 = tpu.vector_load %arg9[%get3A, %get3A_277] {strides = array<i32>} : memref<80x128xi32, #tpu.memory_space<vmem>>, vector<16xi32>,
        %mul3A_279 = arith.constant 16 : i32
        %mul3A_280 = arith.muli %scan3A_274, %mul3A_279 : i32
        %get3A_281 = arith.index_cast %add3A_122 : i32 to index
        %get3A_282 = arith.index_cast %mul3A_280 : i32 to index
        %get3A_283 = tpu.vector_load %arg8[%get3A_281, %get3A_282] {strides = array<i32>} : memref<80x128xi32, #tpu.memory_space<vmem>>, vector<16xi32>,
        %gather3A = tpu.vector_load_idx %arg11[%get3A_278] : memref<10240xf32, #tpu.memory_space<vmem>>[vector<16xi32>], vector<16xf32>,
        tpu.vector_store_idx %arg12[%get3A_283], %gather3A {add = true} : memref<10240xf32, #tpu.memory_space<vmem>>[vector<16xi32>], vector<16xf32>,
      }
      %scan3A_151 = arith.constant 8 : i32
      %ge3A = arith.constant 1 : i32
      %ge3A_152 = arith.cmpi sge, %scan3A_118, %ge3A : i32
      %convert_element_type3A = arith.extui %ge3A_152 : i1 to i32
      %cond3A = arith.constant 0 : i32
      %cond3A_153 = arith.cmpi ne, %convert_element_type3A, %cond3A : i32
      scf.if %cond3A_153 {
        %dma_wait3A_274 = arith.constant 3 : i32
        %dma_wait3A_275 = arith.constant 0 : i32
        %dma_wait3A_276 = arith.constant 0 : i32
        %dma_wait3A_277 = arith.constant 0 : i32
        %dma_wait3A_278 = tpu.memref_slice %arg10[%dma_wait3A_274, %dma_wait3A_276, %dma_wait3A_277] : memref<4x128x64xf32, #tpu.memory_space<vmem>> -> memref<1x128x64xf32, #tpu.memory_space<vmem>>
        %dma_wait3A_279 = tpu.memref_squeeze %dma_wait3A_278 : memref<1x128x64xf32, #tpu.memory_space<vmem>> -> memref<128x64xf32, #tpu.memory_space<vmem>>
        %dma_wait3A_280 = arith.constant 0 : i32
        %dma_wait3A_281 = tpu.memref_slice %arg9[%dma_wait3A_275, %dma_wait3A_280] : memref<80x128xi32, #tpu.memory_space<vmem>> -> memref<1x128xi32, #tpu.memory_space<vmem>>
        %dma_wait3A_282 = tpu.memref_squeeze %dma_wait3A_281 : memref<1x128xi32, #tpu.memory_space<vmem>> -> memref<128xi32, #tpu.memory_space<vmem>>
        %dma_wait3A_283 = arith.constant 0 : i32
        %dma_wait3A_284 = arith.constant 0 : i32
        %dma_wait3A_285 = tpu.memref_slice %arg21[%dma_wait3A_283, %dma_wait3A_284] : memref<10240x64xf32, #tpu.memory_space<vmem_shared>> -> memref<10240x64xf32, #tpu.memory_space<vmem_shared>>
        tpu.wait_indirect_dma semaphore(%arg20 : memref<!tpu.dma_semaphore, #tpu.memory_space<semaphore_mem>>) src(%dma_wait3A_279 : memref<128x64xf32, #tpu.memory_space<vmem>>) dst(%dma_wait3A_285 : memref<10240x64xf32, #tpu.memory_space<vmem_shared>>)
      } else {
      }
      %add3A_154 = arith.constant 3 : i32
      %add3A_155 = arith.addi %add3A_122, %add3A_154 : i32
      %dma_start3A_156 = arith.constant 3 : i32
      %dma_start3A_157 = arith.constant 0 : i32
      %dma_start3A_158 = arith.constant 0 : i32
      %dma_start3A_159 = tpu.memref_slice %arg10[%dma_start3A_156, %dma_start3A_157, %dma_start3A_158] : memref<4x128x64xf32, #tpu.memory_space<vmem>> -> memref<1x128x64xf32, #tpu.memory_space<vmem>>
      %dma_start3A_160 = tpu.memref_squeeze %dma_start3A_159 : memref<1x128x64xf32, #tpu.memory_space<vmem>> -> memref<128x64xf32, #tpu.memory_space<vmem>>
      %dma_start3A_161 = arith.constant 0 : i32
      %dma_start3A_162 = tpu.memref_slice %arg8[%add3A_155, %dma_start3A_161] : memref<80x128xi32, #tpu.memory_space<vmem>> -> memref<1x128xi32, #tpu.memory_space<vmem>>
      %dma_start3A_163 = tpu.memref_squeeze %dma_start3A_162 : memref<1x128xi32, #tpu.memory_space<vmem>> -> memref<128xi32, #tpu.memory_space<vmem>>
      %dma_start3A_164 = arith.constant 0 : i32
      %dma_start3A_165 = arith.constant 0 : i32
      %dma_start3A_166 = tpu.memref_slice %arg4[%dma_start3A_164, %dma_start3A_165] : memref<10240x64xf32, #tpu.memory_space<hbm>> -> memref<10240x64xf32, #tpu.memory_space<hbm>>
      tpu.enqueue_indirect_dma source(%dma_start3A_166 : memref<10240x64xf32, #tpu.memory_space<hbm>>) target(%dma_start3A_160 : memref<128x64xf32, #tpu.memory_space<vmem>>) offsets(%dma_start3A_163 : memref<128xi32, #tpu.memory_space<vmem>>) semaphore(%arg16 : memref<!tpu.dma_semaphore, #tpu.memory_space<semaphore_mem>>)
      %add3A_167 = arith.constant 1 : i32
      %add3A_168 = arith.addi %mul3A_120, %add3A_167 : i32
      %dma_wait3A_169 = arith.constant 0 : i32
      %dma_wait3A_170 = arith.constant 1 : i32
      %dma_wait3A_171 = arith.constant 0 : i32
      %dma_wait3A_172 = arith.constant 0 : i32
      %dma_wait3A_173 = tpu.memref_slice %arg10[%dma_wait3A_170, %dma_wait3A_171, %dma_wait3A_172] : memref<4x128x64xf32, #tpu.memory_space<vmem>> -> memref<1x128x64xf32, #tpu.memory_space<vmem>>
      %dma_wait3A_174 = tpu.memref_squeeze %dma_wait3A_173 : memref<1x128x64xf32, #tpu.memory_space<vmem>> -> memref<128x64xf32, #tpu.memory_space<vmem>>
      %dma_wait3A_175 = arith.constant 0 : i32
      %dma_wait3A_176 = tpu.memref_slice %arg8[%dma_wait3A_169, %dma_wait3A_175] : memref<80x128xi32, #tpu.memory_space<vmem>> -> memref<1x128xi32, #tpu.memory_space<vmem>>
      %dma_wait3A_177 = tpu.memref_squeeze %dma_wait3A_176 : memref<1x128xi32, #tpu.memory_space<vmem>> -> memref<128xi32, #tpu.memory_space<vmem>>
      %dma_wait3A_178 = arith.constant 0 : i32
      %dma_wait3A_179 = arith.constant 0 : i32
      %dma_wait3A_180 = tpu.memref_slice %arg4[%dma_wait3A_178, %dma_wait3A_179] : memref<10240x64xf32, #tpu.memory_space<hbm>> -> memref<10240x64xf32, #tpu.memory_space<hbm>>
      tpu.wait_indirect_dma semaphore(%arg14 : memref<!tpu.dma_semaphore, #tpu.memory_space<semaphore_mem>>) src(%dma_wait3A_180 : memref<10240x64xf32, #tpu.memory_space<hbm>>) dst(%dma_wait3A_174 : memref<128x64xf32, #tpu.memory_space<vmem>>)
      %dma_start3A_181 = arith.constant 1 : i32
      %dma_start3A_182 = arith.constant 0 : i32
      %dma_start3A_183 = arith.constant 0 : i32
      %dma_start3A_184 = tpu.memref_slice %arg10[%dma_start3A_181, %dma_start3A_182, %dma_start3A_183] : memref<4x128x64xf32, #tpu.memory_space<vmem>> -> memref<1x128x64xf32, #tpu.memory_space<vmem>>
      %dma_start3A_185 = tpu.memref_squeeze %dma_start3A_184 : memref<1x128x64xf32, #tpu.memory_space<vmem>> -> memref<128x64xf32, #tpu.memory_space<vmem>>
      %dma_start3A_186 = arith.constant 0 : i32
      %dma_start3A_187 = tpu.memref_slice %arg9[%add3A_168, %dma_start3A_186] : memref<80x128xi32, #tpu.memory_space<vmem>> -> memref<1x128xi32, #tpu.memory_space<vmem>>
      %dma_start3A_188 = tpu.memref_squeeze %dma_start3A_187 : memref<1x128xi32, #tpu.memory_space<vmem>> -> memref<128xi32, #tpu.memory_space<vmem>>
      %dma_start3A_189 = arith.constant 0 : i32
      %dma_start3A_190 = arith.constant 0 : i32
      %dma_start3A_191 = tpu.memref_slice %arg21[%dma_start3A_189, %dma_start3A_190] : memref<10240x64xf32, #tpu.memory_space<vmem_shared>> -> memref<10240x64xf32, #tpu.memory_space<vmem_shared>>
      tpu.enqueue_indirect_dma source(%dma_start3A_185 : memref<128x64xf32, #tpu.memory_space<vmem>>) target(%dma_start3A_191 : memref<10240x64xf32, #tpu.memory_space<vmem_shared>>) offsets(%dma_start3A_188 : memref<128xi32, #tpu.memory_space<vmem>>) semaphore(%arg18 : memref<!tpu.dma_semaphore, #tpu.memory_space<semaphore_mem>>) {add = true}
      %scan3A_192 = arith.constant 0 : i32
      %scan3A_193 = arith.constant 0 : i32
      %scan3A_194 = arith.constant 8 : i32
      %scan3A_195 = arith.addi %scan3A_193, %scan3A_194 : i32
      %scan3A_196 = arith.constant 1 : i32
      scf.for %scan3A_274 = %scan3A_193 to %scan3A_195 step %scan3A_196  : i32 {
        %mul3A_275 = arith.constant 16 : i32
        %mul3A_276 = arith.muli %scan3A_274, %mul3A_275 : i32
        %get3A = arith.index_cast %add3A_168 : i32 to index
        %get3A_277 = arith.index_cast %mul3A_276 : i32 to index
        %get3A_278 = tpu.vector_load %arg9[%get3A, %get3A_277] {strides = array<i32>} : memref<80x128xi32, #tpu.memory_space<vmem>>, vector<16xi32>,
        %mul3A_279 = arith.constant 16 : i32
        %mul3A_280 = arith.muli %scan3A_274, %mul3A_279 : i32
        %get3A_281 = arith.index_cast %add3A_168 : i32 to index
        %get3A_282 = arith.index_cast %mul3A_280 : i32 to index
        %get3A_283 = tpu.vector_load %arg8[%get3A_281, %get3A_282] {strides = array<i32>} : memref<80x128xi32, #tpu.memory_space<vmem>>, vector<16xi32>,
        %gather3A = tpu.vector_load_idx %arg11[%get3A_278] : memref<10240xf32, #tpu.memory_space<vmem>>[vector<16xi32>], vector<16xf32>,
        tpu.vector_store_idx %arg12[%get3A_283], %gather3A {add = true} : memref<10240xf32, #tpu.memory_space<vmem>>[vector<16xi32>], vector<16xf32>,
      }
      %scan3A_197 = arith.constant 8 : i32
      %lt3A = arith.constant 19 : i32
      %lt3A_198 = arith.cmpi slt, %scan3A_118, %lt3A : i32
      %convert_element_type3A_199 = arith.extui %lt3A_198 : i1 to i32
      %cond3A_200 = arith.constant 0 : i32
      %cond3A_201 = arith.cmpi ne, %convert_element_type3A_199, %cond3A_200 : i32
      scf.if %cond3A_201 {
        %dma_wait3A_274 = arith.constant 0 : i32
        %dma_wait3A_275 = arith.constant 0 : i32
        %dma_wait3A_276 = arith.constant 0 : i32
        %dma_wait3A_277 = arith.constant 0 : i32
        %dma_wait3A_278 = tpu.memref_slice %arg10[%dma_wait3A_274, %dma_wait3A_276, %dma_wait3A_277] : memref<4x128x64xf32, #tpu.memory_space<vmem>> -> memref<1x128x64xf32, #tpu.memory_space<vmem>>
        %dma_wait3A_279 = tpu.memref_squeeze %dma_wait3A_278 : memref<1x128x64xf32, #tpu.memory_space<vmem>> -> memref<128x64xf32, #tpu.memory_space<vmem>>
        %dma_wait3A_280 = arith.constant 0 : i32
        %dma_wait3A_281 = tpu.memref_slice %arg9[%dma_wait3A_275, %dma_wait3A_280] : memref<80x128xi32, #tpu.memory_space<vmem>> -> memref<1x128xi32, #tpu.memory_space<vmem>>
        %dma_wait3A_282 = tpu.memref_squeeze %dma_wait3A_281 : memref<1x128xi32, #tpu.memory_space<vmem>> -> memref<128xi32, #tpu.memory_space<vmem>>
        %dma_wait3A_283 = arith.constant 0 : i32
        %dma_wait3A_284 = arith.constant 0 : i32
        %dma_wait3A_285 = tpu.memref_slice %arg21[%dma_wait3A_283, %dma_wait3A_284] : memref<10240x64xf32, #tpu.memory_space<vmem_shared>> -> memref<10240x64xf32, #tpu.memory_space<vmem_shared>>
        tpu.wait_indirect_dma semaphore(%arg17 : memref<!tpu.dma_semaphore, #tpu.memory_space<semaphore_mem>>) src(%dma_wait3A_279 : memref<128x64xf32, #tpu.memory_space<vmem>>) dst(%dma_wait3A_285 : memref<10240x64xf32, #tpu.memory_space<vmem_shared>>)
        %add3A_286 = arith.constant 3 : i32
        %add3A_287 = arith.addi %add3A_168, %add3A_286 : i32
        %dma_start3A_288 = arith.constant 0 : i32
        %dma_start3A_289 = arith.constant 0 : i32
        %dma_start3A_290 = arith.constant 0 : i32
        %dma_start3A_291 = tpu.memref_slice %arg10[%dma_start3A_288, %dma_start3A_289, %dma_start3A_290] : memref<4x128x64xf32, #tpu.memory_space<vmem>> -> memref<1x128x64xf32, #tpu.memory_space<vmem>>
        %dma_start3A_292 = tpu.memref_squeeze %dma_start3A_291 : memref<1x128x64xf32, #tpu.memory_space<vmem>> -> memref<128x64xf32, #tpu.memory_space<vmem>>
        %dma_start3A_293 = arith.constant 0 : i32
        %dma_start3A_294 = tpu.memref_slice %arg8[%add3A_287, %dma_start3A_293] : memref<80x128xi32, #tpu.memory_space<vmem>> -> memref<1x128xi32, #tpu.memory_space<vmem>>
        %dma_start3A_295 = tpu.memref_squeeze %dma_start3A_294 : memref<1x128xi32, #tpu.memory_space<vmem>> -> memref<128xi32, #tpu.memory_space<vmem>>
        %dma_start3A_296 = arith.constant 0 : i32
        %dma_start3A_297 = arith.constant 0 : i32
        %dma_start3A_298 = tpu.memref_slice %arg4[%dma_start3A_296, %dma_start3A_297] : memref<10240x64xf32, #tpu.memory_space<hbm>> -> memref<10240x64xf32, #tpu.memory_space<hbm>>
        tpu.enqueue_indirect_dma source(%dma_start3A_298 : memref<10240x64xf32, #tpu.memory_space<hbm>>) target(%dma_start3A_292 : memref<128x64xf32, #tpu.memory_space<vmem>>) offsets(%dma_start3A_295 : memref<128xi32, #tpu.memory_space<vmem>>) semaphore(%arg13 : memref<!tpu.dma_semaphore, #tpu.memory_space<semaphore_mem>>)
      } else {
      }
      %add3A_202 = arith.constant 2 : i32
      %add3A_203 = arith.addi %mul3A_120, %add3A_202 : i32
      %dma_wait3A_204 = arith.constant 0 : i32
      %dma_wait3A_205 = arith.constant 2 : i32
      %dma_wait3A_206 = arith.constant 0 : i32
      %dma_wait3A_207 = arith.constant 0 : i32
      %dma_wait3A_208 = tpu.memref_slice %arg10[%dma_wait3A_205, %dma_wait3A_206, %dma_wait3A_207] : memref<4x128x64xf32, #tpu.memory_space<vmem>> -> memref<1x128x64xf32, #tpu.memory_space<vmem>>
      %dma_wait3A_209 = tpu.memref_squeeze %dma_wait3A_208 : memref<1x128x64xf32, #tpu.memory_space<vmem>> -> memref<128x64xf32, #tpu.memory_space<vmem>>
      %dma_wait3A_210 = arith.constant 0 : i32
      %dma_wait3A_211 = tpu.memref_slice %arg8[%dma_wait3A_204, %dma_wait3A_210] : memref<80x128xi32, #tpu.memory_space<vmem>> -> memref<1x128xi32, #tpu.memory_space<vmem>>
      %dma_wait3A_212 = tpu.memref_squeeze %dma_wait3A_211 : memref<1x128xi32, #tpu.memory_space<vmem>> -> memref<128xi32, #tpu.memory_space<vmem>>
      %dma_wait3A_213 = arith.constant 0 : i32
      %dma_wait3A_214 = arith.constant 0 : i32
      %dma_wait3A_215 = tpu.memref_slice %arg4[%dma_wait3A_213, %dma_wait3A_214] : memref<10240x64xf32, #tpu.memory_space<hbm>> -> memref<10240x64xf32, #tpu.memory_space<hbm>>
      tpu.wait_indirect_dma semaphore(%arg15 : memref<!tpu.dma_semaphore, #tpu.memory_space<semaphore_mem>>) src(%dma_wait3A_215 : memref<10240x64xf32, #tpu.memory_space<hbm>>) dst(%dma_wait3A_209 : memref<128x64xf32, #tpu.memory_space<vmem>>)
      %dma_start3A_216 = arith.constant 2 : i32
      %dma_start3A_217 = arith.constant 0 : i32
      %dma_start3A_218 = arith.constant 0 : i32
      %dma_start3A_219 = tpu.memref_slice %arg10[%dma_start3A_216, %dma_start3A_217, %dma_start3A_218] : memref<4x128x64xf32, #tpu.memory_space<vmem>> -> memref<1x128x64xf32, #tpu.memory_space<vmem>>
      %dma_start3A_220 = tpu.memref_squeeze %dma_start3A_219 : memref<1x128x64xf32, #tpu.memory_space<vmem>> -> memref<128x64xf32, #tpu.memory_space<vmem>>
      %dma_start3A_221 = arith.constant 0 : i32
      %dma_start3A_222 = tpu.memref_slice %arg9[%add3A_203, %dma_start3A_221] : memref<80x128xi32, #tpu.memory_space<vmem>> -> memref<1x128xi32, #tpu.memory_space<vmem>>
      %dma_start3A_223 = tpu.memref_squeeze %dma_start3A_222 : memref<1x128xi32, #tpu.memory_space<vmem>> -> memref<128xi32, #tpu.memory_space<vmem>>
      %dma_start3A_224 = arith.constant 0 : i32
      %dma_start3A_225 = arith.constant 0 : i32
      %dma_start3A_226 = tpu.memref_slice %arg21[%dma_start3A_224, %dma_start3A_225] : memref<10240x64xf32, #tpu.memory_space<vmem_shared>> -> memref<10240x64xf32, #tpu.memory_space<vmem_shared>>
      tpu.enqueue_indirect_dma source(%dma_start3A_220 : memref<128x64xf32, #tpu.memory_space<vmem>>) target(%dma_start3A_226 : memref<10240x64xf32, #tpu.memory_space<vmem_shared>>) offsets(%dma_start3A_223 : memref<128xi32, #tpu.memory_space<vmem>>) semaphore(%arg19 : memref<!tpu.dma_semaphore, #tpu.memory_space<semaphore_mem>>) {add = true}
      %scan3A_227 = arith.constant 0 : i32
      %scan3A_228 = arith.constant 0 : i32
      %scan3A_229 = arith.constant 8 : i32
      %scan3A_230 = arith.addi %scan3A_228, %scan3A_229 : i32
      %scan3A_231 = arith.constant 1 : i32
      scf.for %scan3A_274 = %scan3A_228 to %scan3A_230 step %scan3A_231  : i32 {
        %mul3A_275 = arith.constant 16 : i32
        %mul3A_276 = arith.muli %scan3A_274, %mul3A_275 : i32
        %get3A = arith.index_cast %add3A_203 : i32 to index
        %get3A_277 = arith.index_cast %mul3A_276 : i32 to index
        %get3A_278 = tpu.vector_load %arg9[%get3A, %get3A_277] {strides = array<i32>} : memref<80x128xi32, #tpu.memory_space<vmem>>, vector<16xi32>,
        %mul3A_279 = arith.constant 16 : i32
        %mul3A_280 = arith.muli %scan3A_274, %mul3A_279 : i32
        %get3A_281 = arith.index_cast %add3A_203 : i32 to index
        %get3A_282 = arith.index_cast %mul3A_280 : i32 to index
        %get3A_283 = tpu.vector_load %arg8[%get3A_281, %get3A_282] {strides = array<i32>} : memref<80x128xi32, #tpu.memory_space<vmem>>, vector<16xi32>,
        %gather3A = tpu.vector_load_idx %arg11[%get3A_278] : memref<10240xf32, #tpu.memory_space<vmem>>[vector<16xi32>], vector<16xf32>,
        tpu.vector_store_idx %arg12[%get3A_283], %gather3A {add = true} : memref<10240xf32, #tpu.memory_space<vmem>>[vector<16xi32>], vector<16xf32>,
      }
      %scan3A_232 = arith.constant 8 : i32
      %lt3A_233 = arith.constant 19 : i32
      %lt3A_234 = arith.cmpi slt, %scan3A_118, %lt3A_233 : i32
      %convert_element_type3A_235 = arith.extui %lt3A_234 : i1 to i32
      %cond3A_236 = arith.constant 0 : i32
      %cond3A_237 = arith.cmpi ne, %convert_element_type3A_235, %cond3A_236 : i32
      scf.if %cond3A_237 {
        %dma_wait3A_274 = arith.constant 1 : i32
        %dma_wait3A_275 = arith.constant 0 : i32
        %dma_wait3A_276 = arith.constant 0 : i32
        %dma_wait3A_277 = arith.constant 0 : i32
        %dma_wait3A_278 = tpu.memref_slice %arg10[%dma_wait3A_274, %dma_wait3A_276, %dma_wait3A_277] : memref<4x128x64xf32, #tpu.memory_space<vmem>> -> memref<1x128x64xf32, #tpu.memory_space<vmem>>
        %dma_wait3A_279 = tpu.memref_squeeze %dma_wait3A_278 : memref<1x128x64xf32, #tpu.memory_space<vmem>> -> memref<128x64xf32, #tpu.memory_space<vmem>>
        %dma_wait3A_280 = arith.constant 0 : i32
        %dma_wait3A_281 = tpu.memref_slice %arg9[%dma_wait3A_275, %dma_wait3A_280] : memref<80x128xi32, #tpu.memory_space<vmem>> -> memref<1x128xi32, #tpu.memory_space<vmem>>
        %dma_wait3A_282 = tpu.memref_squeeze %dma_wait3A_281 : memref<1x128xi32, #tpu.memory_space<vmem>> -> memref<128xi32, #tpu.memory_space<vmem>>
        %dma_wait3A_283 = arith.constant 0 : i32
        %dma_wait3A_284 = arith.constant 0 : i32
        %dma_wait3A_285 = tpu.memref_slice %arg21[%dma_wait3A_283, %dma_wait3A_284] : memref<10240x64xf32, #tpu.memory_space<vmem_shared>> -> memref<10240x64xf32, #tpu.memory_space<vmem_shared>>
        tpu.wait_indirect_dma semaphore(%arg18 : memref<!tpu.dma_semaphore, #tpu.memory_space<semaphore_mem>>) src(%dma_wait3A_279 : memref<128x64xf32, #tpu.memory_space<vmem>>) dst(%dma_wait3A_285 : memref<10240x64xf32, #tpu.memory_space<vmem_shared>>)
        %add3A_286 = arith.constant 3 : i32
        %add3A_287 = arith.addi %add3A_203, %add3A_286 : i32
        %dma_start3A_288 = arith.constant 1 : i32
        %dma_start3A_289 = arith.constant 0 : i32
        %dma_start3A_290 = arith.constant 0 : i32
        %dma_start3A_291 = tpu.memref_slice %arg10[%dma_start3A_288, %dma_start3A_289, %dma_start3A_290] : memref<4x128x64xf32, #tpu.memory_space<vmem>> -> memref<1x128x64xf32, #tpu.memory_space<vmem>>
        %dma_start3A_292 = tpu.memref_squeeze %dma_start3A_291 : memref<1x128x64xf32, #tpu.memory_space<vmem>> -> memref<128x64xf32, #tpu.memory_space<vmem>>
        %dma_start3A_293 = arith.constant 0 : i32
        %dma_start3A_294 = tpu.memref_slice %arg8[%add3A_287, %dma_start3A_293] : memref<80x128xi32, #tpu.memory_space<vmem>> -> memref<1x128xi32, #tpu.memory_space<vmem>>
        %dma_start3A_295 = tpu.memref_squeeze %dma_start3A_294 : memref<1x128xi32, #tpu.memory_space<vmem>> -> memref<128xi32, #tpu.memory_space<vmem>>
        %dma_start3A_296 = arith.constant 0 : i32
        %dma_start3A_297 = arith.constant 0 : i32
        %dma_start3A_298 = tpu.memref_slice %arg4[%dma_start3A_296, %dma_start3A_297] : memref<10240x64xf32, #tpu.memory_space<hbm>> -> memref<10240x64xf32, #tpu.memory_space<hbm>>
        tpu.enqueue_indirect_dma source(%dma_start3A_298 : memref<10240x64xf32, #tpu.memory_space<hbm>>) target(%dma_start3A_292 : memref<128x64xf32, #tpu.memory_space<vmem>>) offsets(%dma_start3A_295 : memref<128xi32, #tpu.memory_space<vmem>>) semaphore(%arg14 : memref<!tpu.dma_semaphore, #tpu.memory_space<semaphore_mem>>)
      } else {
      }
      %add3A_238 = arith.constant 3 : i32
      %add3A_239 = arith.addi %mul3A_120, %add3A_238 : i32
      %dma_wait3A_240 = arith.constant 0 : i32
      %dma_wait3A_241 = arith.constant 3 : i32
      %dma_wait3A_242 = arith.constant 0 : i32
      %dma_wait3A_243 = arith.constant 0 : i32
      %dma_wait3A_244 = tpu.memref_slice %arg10[%dma_wait3A_241, %dma_wait3A_242, %dma_wait3A_243] : memref<4x128x64xf32, #tpu.memory_space<vmem>> -> memref<1x128x64xf32, #tpu.memory_space<vmem>>
      %dma_wait3A_245 = tpu.memref_squeeze %dma_wait3A_244 : memref<1x128x64xf32, #tpu.memory_space<vmem>> -> memref<128x64xf32, #tpu.memory_space<vmem>>
      %dma_wait3A_246 = arith.constant 0 : i32
      %dma_wait3A_247 = tpu.memref_slice %arg8[%dma_wait3A_240, %dma_wait3A_246] : memref<80x128xi32, #tpu.memory_space<vmem>> -> memref<1x128xi32, #tpu.memory_space<vmem>>
      %dma_wait3A_248 = tpu.memref_squeeze %dma_wait3A_247 : memref<1x128xi32, #tpu.memory_space<vmem>> -> memref<128xi32, #tpu.memory_space<vmem>>
      %dma_wait3A_249 = arith.constant 0 : i32
      %dma_wait3A_250 = arith.constant 0 : i32
      %dma_wait3A_251 = tpu.memref_slice %arg4[%dma_wait3A_249, %dma_wait3A_250] : memref<10240x64xf32, #tpu.memory_space<hbm>> -> memref<10240x64xf32, #tpu.memory_space<hbm>>
      tpu.wait_indirect_dma semaphore(%arg16 : memref<!tpu.dma_semaphore, #tpu.memory_space<semaphore_mem>>) src(%dma_wait3A_251 : memref<10240x64xf32, #tpu.memory_space<hbm>>) dst(%dma_wait3A_245 : memref<128x64xf32, #tpu.memory_space<vmem>>)
      %dma_start3A_252 = arith.constant 3 : i32
      %dma_start3A_253 = arith.constant 0 : i32
      %dma_start3A_254 = arith.constant 0 : i32
      %dma_start3A_255 = tpu.memref_slice %arg10[%dma_start3A_252, %dma_start3A_253, %dma_start3A_254] : memref<4x128x64xf32, #tpu.memory_space<vmem>> -> memref<1x128x64xf32, #tpu.memory_space<vmem>>
      %dma_start3A_256 = tpu.memref_squeeze %dma_start3A_255 : memref<1x128x64xf32, #tpu.memory_space<vmem>> -> memref<128x64xf32, #tpu.memory_space<vmem>>
      %dma_start3A_257 = arith.constant 0 : i32
      %dma_start3A_258 = tpu.memref_slice %arg9[%add3A_239, %dma_start3A_257] : memref<80x128xi32, #tpu.memory_space<vmem>> -> memref<1x128xi32, #tpu.memory_space<vmem>>
      %dma_start3A_259 = tpu.memref_squeeze %dma_start3A_258 : memref<1x128xi32, #tpu.memory_space<vmem>> -> memref<128xi32, #tpu.memory_space<vmem>>
      %dma_start3A_260 = arith.constant 0 : i32
      %dma_start3A_261 = arith.constant 0 : i32
      %dma_start3A_262 = tpu.memref_slice %arg21[%dma_start3A_260, %dma_start3A_261] : memref<10240x64xf32, #tpu.memory_space<vmem_shared>> -> memref<10240x64xf32, #tpu.memory_space<vmem_shared>>
      tpu.enqueue_indirect_dma source(%dma_start3A_256 : memref<128x64xf32, #tpu.memory_space<vmem>>) target(%dma_start3A_262 : memref<10240x64xf32, #tpu.memory_space<vmem_shared>>) offsets(%dma_start3A_259 : memref<128xi32, #tpu.memory_space<vmem>>) semaphore(%arg20 : memref<!tpu.dma_semaphore, #tpu.memory_space<semaphore_mem>>) {add = true}
      %scan3A_263 = arith.constant 0 : i32
      %scan3A_264 = arith.constant 0 : i32
      %scan3A_265 = arith.constant 8 : i32
      %scan3A_266 = arith.addi %scan3A_264, %scan3A_265 : i32
      %scan3A_267 = arith.constant 1 : i32
      scf.for %scan3A_274 = %scan3A_264 to %scan3A_266 step %scan3A_267  : i32 {
        %mul3A_275 = arith.constant 16 : i32
        %mul3A_276 = arith.muli %scan3A_274, %mul3A_275 : i32
        %get3A = arith.index_cast %add3A_239 : i32 to index
        %get3A_277 = arith.index_cast %mul3A_276 : i32 to index
        %get3A_278 = tpu.vector_load %arg9[%get3A, %get3A_277] {strides = array<i32>} : memref<80x128xi32, #tpu.memory_space<vmem>>, vector<16xi32>,
        %mul3A_279 = arith.constant 16 : i32
        %mul3A_280 = arith.muli %scan3A_274, %mul3A_279 : i32
        %get3A_281 = arith.index_cast %add3A_239 : i32 to index
        %get3A_282 = arith.index_cast %mul3A_280 : i32 to index
        %get3A_283 = tpu.vector_load %arg8[%get3A_281, %get3A_282] {strides = array<i32>} : memref<80x128xi32, #tpu.memory_space<vmem>>, vector<16xi32>,
        %gather3A = tpu.vector_load_idx %arg11[%get3A_278] : memref<10240xf32, #tpu.memory_space<vmem>>[vector<16xi32>], vector<16xf32>,
        tpu.vector_store_idx %arg12[%get3A_283], %gather3A {add = true} : memref<10240xf32, #tpu.memory_space<vmem>>[vector<16xi32>], vector<16xf32>,
      }
      %scan3A_268 = arith.constant 8 : i32
      %lt3A_269 = arith.constant 19 : i32
      %lt3A_270 = arith.cmpi slt, %scan3A_118, %lt3A_269 : i32
      %convert_element_type3A_271 = arith.extui %lt3A_270 : i1 to i32
      %cond3A_272 = arith.constant 0 : i32
      %cond3A_273 = arith.cmpi ne, %convert_element_type3A_271, %cond3A_272 : i32
      scf.if %cond3A_273 {
        %dma_wait3A_274 = arith.constant 2 : i32
        %dma_wait3A_275 = arith.constant 0 : i32
        %dma_wait3A_276 = arith.constant 0 : i32
        %dma_wait3A_277 = arith.constant 0 : i32
        %dma_wait3A_278 = tpu.memref_slice %arg10[%dma_wait3A_274, %dma_wait3A_276, %dma_wait3A_277] : memref<4x128x64xf32, #tpu.memory_space<vmem>> -> memref<1x128x64xf32, #tpu.memory_space<vmem>>
        %dma_wait3A_279 = tpu.memref_squeeze %dma_wait3A_278 : memref<1x128x64xf32, #tpu.memory_space<vmem>> -> memref<128x64xf32, #tpu.memory_space<vmem>>
        %dma_wait3A_280 = arith.constant 0 : i32
        %dma_wait3A_281 = tpu.memref_slice %arg9[%dma_wait3A_275, %dma_wait3A_280] : memref<80x128xi32, #tpu.memory_space<vmem>> -> memref<1x128xi32, #tpu.memory_space<vmem>>
        %dma_wait3A_282 = tpu.memref_squeeze %dma_wait3A_281 : memref<1x128xi32, #tpu.memory_space<vmem>> -> memref<128xi32, #tpu.memory_space<vmem>>
        %dma_wait3A_283 = arith.constant 0 : i32
        %dma_wait3A_284 = arith.constant 0 : i32
        %dma_wait3A_285 = tpu.memref_slice %arg21[%dma_wait3A_283, %dma_wait3A_284] : memref<10240x64xf32, #tpu.memory_space<vmem_shared>> -> memref<10240x64xf32, #tpu.memory_space<vmem_shared>>
        tpu.wait_indirect_dma semaphore(%arg19 : memref<!tpu.dma_semaphore, #tpu.memory_space<semaphore_mem>>) src(%dma_wait3A_279 : memref<128x64xf32, #tpu.memory_space<vmem>>) dst(%dma_wait3A_285 : memref<10240x64xf32, #tpu.memory_space<vmem_shared>>)
        %add3A_286 = arith.constant 3 : i32
        %add3A_287 = arith.addi %add3A_239, %add3A_286 : i32
        %dma_start3A_288 = arith.constant 2 : i32
        %dma_start3A_289 = arith.constant 0 : i32
        %dma_start3A_290 = arith.constant 0 : i32
        %dma_start3A_291 = tpu.memref_slice %arg10[%dma_start3A_288, %dma_start3A_289, %dma_start3A_290] : memref<4x128x64xf32, #tpu.memory_space<vmem>> -> memref<1x128x64xf32, #tpu.memory_space<vmem>>
        %dma_start3A_292 = tpu.memref_squeeze %dma_start3A_291 : memref<1x128x64xf32, #tpu.memory_space<vmem>> -> memref<128x64xf32, #tpu.memory_space<vmem>>
        %dma_start3A_293 = arith.constant 0 : i32
        %dma_start3A_294 = tpu.memref_slice %arg8[%add3A_287, %dma_start3A_293] : memref<80x128xi32, #tpu.memory_space<vmem>> -> memref<1x128xi32, #tpu.memory_space<vmem>>
        %dma_start3A_295 = tpu.memref_squeeze %dma_start3A_294 : memref<1x128xi32, #tpu.memory_space<vmem>> -> memref<128xi32, #tpu.memory_space<vmem>>
        %dma_start3A_296 = arith.constant 0 : i32
        %dma_start3A_297 = arith.constant 0 : i32
        %dma_start3A_298 = tpu.memref_slice %arg4[%dma_start3A_296, %dma_start3A_297] : memref<10240x64xf32, #tpu.memory_space<hbm>> -> memref<10240x64xf32, #tpu.memory_space<hbm>>
        tpu.enqueue_indirect_dma source(%dma_start3A_298 : memref<10240x64xf32, #tpu.memory_space<hbm>>) target(%dma_start3A_292 : memref<128x64xf32, #tpu.memory_space<vmem>>) offsets(%dma_start3A_295 : memref<128xi32, #tpu.memory_space<vmem>>) semaphore(%arg15 : memref<!tpu.dma_semaphore, #tpu.memory_space<semaphore_mem>>)
      } else {
      }
    }
    %scan3A_63 = arith.constant 20 : i32
    %dma_wait3A = arith.constant 0 : i32
    %dma_wait3A_64 = arith.constant 0 : i32
    %dma_wait3A_65 = arith.constant 0 : i32
    %dma_wait3A_66 = arith.constant 0 : i32
    %dma_wait3A_67 = tpu.memref_slice %arg10[%dma_wait3A, %dma_wait3A_65, %dma_wait3A_66] : memref<4x128x64xf32, #tpu.memory_space<vmem>> -> memref<1x128x64xf32, #tpu.memory_space<vmem>>
    %dma_wait3A_68 = tpu.memref_squeeze %dma_wait3A_67 : memref<1x128x64xf32, #tpu.memory_space<vmem>> -> memref<128x64xf32, #tpu.memory_space<vmem>>
    %dma_wait3A_69 = arith.constant 0 : i32
    %dma_wait3A_70 = tpu.memref_slice %arg9[%dma_wait3A_64, %dma_wait3A_69] : memref<80x128xi32, #tpu.memory_space<vmem>> -> memref<1x128xi32, #tpu.memory_space<vmem>>
    %dma_wait3A_71 = tpu.memref_squeeze %dma_wait3A_70 : memref<1x128xi32, #tpu.memory_space<vmem>> -> memref<128xi32, #tpu.memory_space<vmem>>
    %dma_wait3A_72 = arith.constant 0 : i32
    %dma_wait3A_73 = arith.constant 0 : i32
    %dma_wait3A_74 = tpu.memref_slice %arg21[%dma_wait3A_72, %dma_wait3A_73] : memref<10240x64xf32, #tpu.memory_space<vmem_shared>> -> memref<10240x64xf32, #tpu.memory_space<vmem_shared>>
    tpu.wait_indirect_dma semaphore(%arg17 : memref<!tpu.dma_semaphore, #tpu.memory_space<semaphore_mem>>) src(%dma_wait3A_68 : memref<128x64xf32, #tpu.memory_space<vmem>>) dst(%dma_wait3A_74 : memref<10240x64xf32, #tpu.memory_space<vmem_shared>>)
    %dma_wait3A_75 = arith.constant 1 : i32
    %dma_wait3A_76 = arith.constant 0 : i32
    %dma_wait3A_77 = arith.constant 0 : i32
    %dma_wait3A_78 = arith.constant 0 : i32
    %dma_wait3A_79 = tpu.memref_slice %arg10[%dma_wait3A_75, %dma_wait3A_77, %dma_wait3A_78] : memref<4x128x64xf32, #tpu.memory_space<vmem>> -> memref<1x128x64xf32, #tpu.memory_space<vmem>>
    %dma_wait3A_80 = tpu.memref_squeeze %dma_wait3A_79 : memref<1x128x64xf32, #tpu.memory_space<vmem>> -> memref<128x64xf32, #tpu.memory_space<vmem>>
    %dma_wait3A_81 = arith.constant 0 : i32
    %dma_wait3A_82 = tpu.memref_slice %arg9[%dma_wait3A_76, %dma_wait3A_81] : memref<80x128xi32, #tpu.memory_space<vmem>> -> memref<1x128xi32, #tpu.memory_space<vmem>>
    %dma_wait3A_83 = tpu.memref_squeeze %dma_wait3A_82 : memref<1x128xi32, #tpu.memory_space<vmem>> -> memref<128xi32, #tpu.memory_space<vmem>>
    %dma_wait3A_84 = arith.constant 0 : i32
    %dma_wait3A_85 = arith.constant 0 : i32
    %dma_wait3A_86 = tpu.memref_slice %arg21[%dma_wait3A_84, %dma_wait3A_85] : memref<10240x64xf32, #tpu.memory_space<vmem_shared>> -> memref<10240x64xf32, #tpu.memory_space<vmem_shared>>
    tpu.wait_indirect_dma semaphore(%arg18 : memref<!tpu.dma_semaphore, #tpu.memory_space<semaphore_mem>>) src(%dma_wait3A_80 : memref<128x64xf32, #tpu.memory_space<vmem>>) dst(%dma_wait3A_86 : memref<10240x64xf32, #tpu.memory_space<vmem_shared>>)
    %dma_wait3A_87 = arith.constant 2 : i32
    %dma_wait3A_88 = arith.constant 0 : i32
    %dma_wait3A_89 = arith.constant 0 : i32
    %dma_wait3A_90 = arith.constant 0 : i32
    %dma_wait3A_91 = tpu.memref_slice %arg10[%dma_wait3A_87, %dma_wait3A_89, %dma_wait3A_90] : memref<4x128x64xf32, #tpu.memory_space<vmem>> -> memref<1x128x64xf32, #tpu.memory_space<vmem>>
    %dma_wait3A_92 = tpu.memref_squeeze %dma_wait3A_91 : memref<1x128x64xf32, #tpu.memory_space<vmem>> -> memref<128x64xf32, #tpu.memory_space<vmem>>
    %dma_wait3A_93 = arith.constant 0 : i32
    %dma_wait3A_94 = tpu.memref_slice %arg9[%dma_wait3A_88, %dma_wait3A_93] : memref<80x128xi32, #tpu.memory_space<vmem>> -> memref<1x128xi32, #tpu.memory_space<vmem>>
    %dma_wait3A_95 = tpu.memref_squeeze %dma_wait3A_94 : memref<1x128xi32, #tpu.memory_space<vmem>> -> memref<128xi32, #tpu.memory_space<vmem>>
    %dma_wait3A_96 = arith.constant 0 : i32
    %dma_wait3A_97 = arith.constant 0 : i32
    %dma_wait3A_98 = tpu.memref_slice %arg21[%dma_wait3A_96, %dma_wait3A_97] : memref<10240x64xf32, #tpu.memory_space<vmem_shared>> -> memref<10240x64xf32, #tpu.memory_space<vmem_shared>>
    tpu.wait_indirect_dma semaphore(%arg19 : memref<!tpu.dma_semaphore, #tpu.memory_space<semaphore_mem>>) src(%dma_wait3A_92 : memref<128x64xf32, #tpu.memory_space<vmem>>) dst(%dma_wait3A_98 : memref<10240x64xf32, #tpu.memory_space<vmem_shared>>)
    %dma_wait3A_99 = arith.constant 3 : i32
    %dma_wait3A_100 = arith.constant 0 : i32
    %dma_wait3A_101 = arith.constant 0 : i32
    %dma_wait3A_102 = arith.constant 0 : i32
    %dma_wait3A_103 = tpu.memref_slice %arg10[%dma_wait3A_99, %dma_wait3A_101, %dma_wait3A_102] : memref<4x128x64xf32, #tpu.memory_space<vmem>> -> memref<1x128x64xf32, #tpu.memory_space<vmem>>
    %dma_wait3A_104 = tpu.memref_squeeze %dma_wait3A_103 : memref<1x128x64xf32, #tpu.memory_space<vmem>> -> memref<128x64xf32, #tpu.memory_space<vmem>>
    %dma_wait3A_105 = arith.constant 0 : i32
    %dma_wait3A_106 = tpu.memref_slice %arg9[%dma_wait3A_100, %dma_wait3A_105] : memref<80x128xi32, #tpu.memory_space<vmem>> -> memref<1x128xi32, #tpu.memory_space<vmem>>
    %dma_wait3A_107 = tpu.memref_squeeze %dma_wait3A_106 : memref<1x128xi32, #tpu.memory_space<vmem>> -> memref<128xi32, #tpu.memory_space<vmem>>
    %dma_wait3A_108 = arith.constant 0 : i32
    %dma_wait3A_109 = arith.constant 0 : i32
    %dma_wait3A_110 = tpu.memref_slice %arg21[%dma_wait3A_108, %dma_wait3A_109] : memref<10240x64xf32, #tpu.memory_space<vmem_shared>> -> memref<10240x64xf32, #tpu.memory_space<vmem_shared>>
    tpu.wait_indirect_dma semaphore(%arg20 : memref<!tpu.dma_semaphore, #tpu.memory_space<semaphore_mem>>) src(%dma_wait3A_104 : memref<128x64xf32, #tpu.memory_space<vmem>>) dst(%dma_wait3A_110 : memref<10240x64xf32, #tpu.memory_space<vmem_shared>>)
    "tpu.region"() ({
      %run_scoped3A = tpu.sem_alloc : memref<!tpu.dma_semaphore, #tpu.memory_space<semaphore_mem>>
      %dma_start3A_118 = arith.constant 0 : i32
      %dma_start3A_119 = tpu.memref_slice %arg7[%add3A, %dma_start3A_118] : memref<32x10240xf32, #tpu.memory_space<hbm>> -> memref<1x10240xf32, #tpu.memory_space<hbm>>
      %dma_start3A_120 = tpu.memref_squeeze %dma_start3A_119 : memref<1x10240xf32, #tpu.memory_space<hbm>> -> memref<10240xf32, #tpu.memory_space<hbm>>
      %dma_start3A_121 = arith.constant 0 : i32
      %dma_start3A_122 = tpu.memref_slice %arg7[%add3A, %dma_start3A_121] : memref<32x10240xf32, #tpu.memory_space<hbm>> -> memref<1x10240xf32, #tpu.memory_space<hbm>>
      %dma_start3A_123 = tpu.memref_squeeze %dma_start3A_122 : memref<1x10240xf32, #tpu.memory_space<hbm>> -> memref<10240xf32, #tpu.memory_space<hbm>>
      tpu.enqueue_dma source(%arg12 : memref<10240xf32, #tpu.memory_space<vmem>>) target(%dma_start3A_123 : memref<10240xf32, #tpu.memory_space<hbm>>) target_semaphore(%run_scoped3A : memref<!tpu.dma_semaphore, #tpu.memory_space<semaphore_mem>>)
      %dma_wait3A_124 = arith.constant 0 : i32
      %dma_wait3A_125 = tpu.memref_slice %arg7[%add3A, %dma_wait3A_124] : memref<32x10240xf32, #tpu.memory_space<hbm>> -> memref<1x10240xf32, #tpu.memory_space<hbm>>
      %dma_wait3A_126 = tpu.memref_squeeze %dma_wait3A_125 : memref<1x10240xf32, #tpu.memory_space<hbm>> -> memref<10240xf32, #tpu.memory_space<hbm>>
      %dma_wait3A_127 = arith.constant 0 : i32
      %dma_wait3A_128 = tpu.memref_slice %arg7[%add3A, %dma_wait3A_127] : memref<32x10240xf32, #tpu.memory_space<hbm>> -> memref<1x10240xf32, #tpu.memory_space<hbm>>
      %dma_wait3A_129 = tpu.memref_squeeze %dma_wait3A_128 : memref<1x10240xf32, #tpu.memory_space<hbm>> -> memref<10240xf32, #tpu.memory_space<hbm>>
      tpu.wait_dma2 semaphore(%run_scoped3A : memref<!tpu.dma_semaphore, #tpu.memory_space<semaphore_mem>>) src(%arg12 : memref<10240xf32, #tpu.memory_space<vmem>>) dst(%dma_wait3A_129 : memref<10240xf32, #tpu.memory_space<hbm>>)
      tpu.yield
    }) : () -> ()
    %barrier3A_111 = arith.constant 0 : index
    tpu.barrier barrier_id(%barrier3A_111)
    %scan3A_112 = arith.constant 0 : i32
    %scan3A_113 = arith.constant 0 : i32
    %scan3A_114 = arith.constant 5 : i32
    %scan3A_115 = arith.addi %scan3A_113, %scan3A_114 : i32
    %scan3A_116 = arith.constant 1 : i32
    scf.for %scan3A_118 = %scan3A_113 to %scan3A_115 step %scan3A_116  : i32 {
      %mul3A_119 = arith.constant 640 : i32
      %mul3A_120 = arith.muli %arg1, %mul3A_119 : i32
      %mul3A_121 = arith.constant 128 : i32
      %mul3A_122 = arith.muli %scan3A_118, %mul3A_121 : i32
      %add3A_123 = arith.addi %mul3A_120, %mul3A_122 : i32
      %run_scoped3A = arith.constant 0 : i32
      "tpu.region"() ({
        %run_scoped3A_125 = tpu.sem_alloc : memref<!tpu.dma_semaphore, #tpu.memory_space<semaphore_mem>>
        %dma_start3A_126 = arith.constant 0 : i32
        %dma_start3A_127 = arith.constant 0 : i32
        %dma_start3A_128 = tpu.memref_slice %arg10[%run_scoped3A, %dma_start3A_126, %dma_start3A_127] : memref<4x128x64xf32, #tpu.memory_space<vmem>> -> memref<1x128x64xf32, #tpu.memory_space<vmem>>
        %dma_start3A_129 = tpu.memref_squeeze %dma_start3A_128 : memref<1x128x64xf32, #tpu.memory_space<vmem>> -> memref<128x64xf32, #tpu.memory_space<vmem>>
        %dma_start3A_130 = arith.constant 0 : i32
        %dma_start3A_131 = tpu.memref_slice %arg21[%add3A_123, %dma_start3A_130] : memref<10240x64xf32, #tpu.memory_space<vmem_shared>> -> memref<128x64xf32, #tpu.memory_space<vmem_shared>>
        %dma_start3A_132 = arith.constant 0 : i32
        %dma_start3A_133 = arith.constant 0 : i32
        %dma_start3A_134 = tpu.memref_slice %arg10[%run_scoped3A, %dma_start3A_132, %dma_start3A_133] : memref<4x128x64xf32, #tpu.memory_space<vmem>> -> memref<1x128x64xf32, #tpu.memory_space<vmem>>
        %dma_start3A_135 = tpu.memref_squeeze %dma_start3A_134 : memref<1x128x64xf32, #tpu.memory_space<vmem>> -> memref<128x64xf32, #tpu.memory_space<vmem>>
        %dma_start3A_136 = arith.constant 0 : i32
        %dma_start3A_137 = tpu.memref_slice %arg21[%add3A_123, %dma_start3A_136] : memref<10240x64xf32, #tpu.memory_space<vmem_shared>> -> memref<128x64xf32, #tpu.memory_space<vmem_shared>>
        tpu.enqueue_dma source(%dma_start3A_137 : memref<128x64xf32, #tpu.memory_space<vmem_shared>>) target(%dma_start3A_135 : memref<128x64xf32, #tpu.memory_space<vmem>>) target_semaphore(%run_scoped3A_125 : memref<!tpu.dma_semaphore, #tpu.memory_space<semaphore_mem>>)
        %dma_wait3A_138 = arith.constant 0 : i32
        %dma_wait3A_139 = arith.constant 0 : i32
        %dma_wait3A_140 = tpu.memref_slice %arg10[%run_scoped3A, %dma_wait3A_138, %dma_wait3A_139] : memref<4x128x64xf32, #tpu.memory_space<vmem>> -> memref<1x128x64xf32, #tpu.memory_space<vmem>>
        %dma_wait3A_141 = tpu.memref_squeeze %dma_wait3A_140 : memref<1x128x64xf32, #tpu.memory_space<vmem>> -> memref<128x64xf32, #tpu.memory_space<vmem>>
        %dma_wait3A_142 = arith.constant 0 : i32
        %dma_wait3A_143 = tpu.memref_slice %arg21[%add3A_123, %dma_wait3A_142] : memref<10240x64xf32, #tpu.memory_space<vmem_shared>> -> memref<128x64xf32, #tpu.memory_space<vmem_shared>>
        %dma_wait3A_144 = arith.constant 0 : i32
        %dma_wait3A_145 = arith.constant 0 : i32
        %dma_wait3A_146 = tpu.memref_slice %arg10[%run_scoped3A, %dma_wait3A_144, %dma_wait3A_145] : memref<4x128x64xf32, #tpu.memory_space<vmem>> -> memref<1x128x64xf32, #tpu.memory_space<vmem>>
        %dma_wait3A_147 = tpu.memref_squeeze %dma_wait3A_146 : memref<1x128x64xf32, #tpu.memory_space<vmem>> -> memref<128x64xf32, #tpu.memory_space<vmem>>
        %dma_wait3A_148 = arith.constant 0 : i32
        %dma_wait3A_149 = tpu.memref_slice %arg21[%add3A_123, %dma_wait3A_148] : memref<10240x64xf32, #tpu.memory_space<vmem_shared>> -> memref<128x64xf32, #tpu.memory_space<vmem_shared>>
        tpu.wait_dma2 semaphore(%run_scoped3A_125 : memref<!tpu.dma_semaphore, #tpu.memory_space<semaphore_mem>>) src(%dma_wait3A_149 : memref<128x64xf32, #tpu.memory_space<vmem_shared>>) dst(%dma_wait3A_147 : memref<128x64xf32, #tpu.memory_space<vmem>>)
        tpu.yield
      }) : () -> ()
      %run_scoped3A_124 = arith.constant 0 : i32
      "tpu.region"() ({
        %run_scoped3A_125 = tpu.sem_alloc : memref<!tpu.dma_semaphore, #tpu.memory_space<semaphore_mem>>
        %dma_start3A_126 = arith.constant 0 : i32
        %dma_start3A_127 = arith.constant 0 : i32
        %dma_start3A_128 = tpu.memref_slice %arg10[%run_scoped3A_124, %dma_start3A_126, %dma_start3A_127] : memref<4x128x64xf32, #tpu.memory_space<vmem>> -> memref<1x128x64xf32, #tpu.memory_space<vmem>>
        %dma_start3A_129 = tpu.memref_squeeze %dma_start3A_128 : memref<1x128x64xf32, #tpu.memory_space<vmem>> -> memref<128x64xf32, #tpu.memory_space<vmem>>
        %dma_start3A_130 = arith.constant 0 : i32
        %dma_start3A_131 = tpu.memref_slice %arg6[%arg0, %add3A_123, %dma_start3A_130] : memref<2x10240x64xf32, #tpu.memory_space<hbm>> -> memref<1x128x64xf32, #tpu.memory_space<hbm>>
        %dma_start3A_132 = tpu.memref_squeeze %dma_start3A_131 : memref<1x128x64xf32, #tpu.memory_space<hbm>> -> memref<128x64xf32, #tpu.memory_space<hbm>>
        %dma_start3A_133 = arith.constant 0 : i32
        %dma_start3A_134 = tpu.memref_slice %arg6[%arg0, %add3A_123, %dma_start3A_133] : memref<2x10240x64xf32, #tpu.memory_space<hbm>> -> memref<1x128x64xf32, #tpu.memory_space<hbm>>
        %dma_start3A_135 = tpu.memref_squeeze %dma_start3A_134 : memref<1x128x64xf32, #tpu.memory_space<hbm>> -> memref<128x64xf32, #tpu.memory_space<hbm>>
        %dma_start3A_136 = arith.constant 0 : i32
        %dma_start3A_137 = arith.constant 0 : i32
        %dma_start3A_138 = tpu.memref_slice %arg10[%run_scoped3A_124, %dma_start3A_136, %dma_start3A_137] : memref<4x128x64xf32, #tpu.memory_space<vmem>> -> memref<1x128x64xf32, #tpu.memory_space<vmem>>
        %dma_start3A_139 = tpu.memref_squeeze %dma_start3A_138 : memref<1x128x64xf32, #tpu.memory_space<vmem>> -> memref<128x64xf32, #tpu.memory_space<vmem>>
        tpu.enqueue_dma source(%dma_start3A_139 : memref<128x64xf32, #tpu.memory_space<vmem>>) target(%dma_start3A_135 : memref<128x64xf32, #tpu.memory_space<hbm>>) target_semaphore(%run_scoped3A_125 : memref<!tpu.dma_semaphore, #tpu.memory_space<semaphore_mem>>)
        %dma_wait3A_140 = arith.constant 0 : i32
        %dma_wait3A_141 = arith.constant 0 : i32
        %dma_wait3A_142 = tpu.memref_slice %arg10[%run_scoped3A_124, %dma_wait3A_140, %dma_wait3A_141] : memref<4x128x64xf32, #tpu.memory_space<vmem>> -> memref<1x128x64xf32, #tpu.memory_space<vmem>>
        %dma_wait3A_143 = tpu.memref_squeeze %dma_wait3A_142 : memref<1x128x64xf32, #tpu.memory_space<vmem>> -> memref<128x64xf32, #tpu.memory_space<vmem>>
        %dma_wait3A_144 = arith.constant 0 : i32
        %dma_wait3A_145 = tpu.memref_slice %arg6[%arg0, %add3A_123, %dma_wait3A_144] : memref<2x10240x64xf32, #tpu.memory_space<hbm>> -> memref<1x128x64xf32, #tpu.memory_space<hbm>>
        %dma_wait3A_146 = tpu.memref_squeeze %dma_wait3A_145 : memref<1x128x64xf32, #tpu.memory_space<hbm>> -> memref<128x64xf32, #tpu.memory_space<hbm>>
        %dma_wait3A_147 = arith.constant 0 : i32
        %dma_wait3A_148 = tpu.memref_slice %arg6[%arg0, %add3A_123, %dma_wait3A_147] : memref<2x10240x64xf32, #tpu.memory_space<hbm>> -> memref<1x128x64xf32, #tpu.memory_space<hbm>>
        %dma_wait3A_149 = tpu.memref_squeeze %dma_wait3A_148 : memref<1x128x64xf32, #tpu.memory_space<hbm>> -> memref<128x64xf32, #tpu.memory_space<hbm>>
        %dma_wait3A_150 = arith.constant 0 : i32
        %dma_wait3A_151 = arith.constant 0 : i32
        %dma_wait3A_152 = tpu.memref_slice %arg10[%run_scoped3A_124, %dma_wait3A_150, %dma_wait3A_151] : memref<4x128x64xf32, #tpu.memory_space<vmem>> -> memref<1x128x64xf32, #tpu.memory_space<vmem>>
        %dma_wait3A_153 = tpu.memref_squeeze %dma_wait3A_152 : memref<1x128x64xf32, #tpu.memory_space<vmem>> -> memref<128x64xf32, #tpu.memory_space<vmem>>
        tpu.wait_dma2 semaphore(%run_scoped3A_125 : memref<!tpu.dma_semaphore, #tpu.memory_space<semaphore_mem>>) src(%dma_wait3A_153 : memref<128x64xf32, #tpu.memory_space<vmem>>) dst(%dma_wait3A_149 : memref<128x64xf32, #tpu.memory_space<hbm>>)
        tpu.yield
      }) : () -> ()
    }
    %scan3A_117 = arith.constant 5 : i32
    return
  }
}

module attributes {stable_mosaic.version = 14 : i64} {
  func.func @_k2_body(%arg0: i32, %arg1: memref<1024x128xf32, #tpu.memory_space<vmem>>, %arg2: memref<128x64xf32, #tpu.memory_space<vmem>>, %arg3: memref<32x1024xf32, #tpu.memory_space<vmem>>, %arg4: memref<1024x64xf32, #tpu.memory_space<vmem>>, %arg5: memref<1x1x1024xf32, #tpu.memory_space<vmem>>) attributes {dimension_semantics = [#tpu.dimension_semantics<arbitrary>], iteration_bounds = array<i64: 10>, scalar_prefetch = 0 : i64, scratch_operands = 0 : i64, tpu.core_type = #tpu.core_type<tc>, window_params = [{transform_indices = @transform_0, window_bounds = array<i64: 1024, 128>}, {pipeline_mode = #tpu.pipeline_mode<synchronous>, transform_indices = @transform_1, window_bounds = array<i64: 128, 64>}, {transform_indices = @transform_2, window_bounds = array<i64: 32, 1024>}, {transform_indices = @transform_3, window_bounds = array<i64: 1024, 64>}, {transform_indices = @transform_4, window_bounds = array<i64: 1, 1, 1024>}]} {
    %get3A = arith.constant 0 : index
    %get3A_0 = arith.constant 0 : index
    %get3A_1 = vector.load %arg3[%get3A, %get3A_0] : memref<32x1024xf32, #tpu.memory_space<vmem>>, vector<32x1024xf32>
    %reduce_sum3A = arith.constant dense<0.000000e+00> : vector<1024xf32>
    %reduce_sum3A_2 = vector.multi_reduction <add>, %get3A_1, %reduce_sum3A [0] : vector<32x1024xf32> to vector<1024xf32>
    %broadcast_in_dim3A = vector.shape_cast %reduce_sum3A_2 : vector<1024xf32> to vector<1x1024xf32>
    %add3A = arith.constant 1.000000e+00 : f32
    %add3A_3 = vector.broadcast %add3A : f32 to vector<1x1024xf32>
    %add3A_4 = arith.addf %broadcast_in_dim3A, %add3A_3 : vector<1x1024xf32>
    %rsqrt3A = math.rsqrt %add3A_4 : vector<1x1024xf32>
    %reshape3A = vector.shape_cast %rsqrt3A : vector<1x1024xf32> to vector<1x1x1024xf32>
    %swap3A = arith.constant 0 : index
    %swap3A_5 = arith.constant 0 : index
    %swap3A_6 = arith.constant 0 : index
    %swap3A_7 = vector.load %arg5[%swap3A, %swap3A_5, %swap3A_6] : memref<1x1x1024xf32, #tpu.memory_space<vmem>>, vector<1x1x1024xf32>
    tpu.vector_store %arg5[%swap3A, %swap3A_5, %swap3A_6], %reshape3A {strides = array<i32>} : memref<1x1x1024xf32, #tpu.memory_space<vmem>>, vector<1x1x1024xf32>,
    %get3A_8 = arith.constant 0 : index
    %get3A_9 = arith.constant 0 : index
    %get3A_10 = vector.load %arg1[%get3A_8, %get3A_9] : memref<1024x128xf32, #tpu.memory_space<vmem>>, vector<1024x128xf32>
    %get3A_11 = arith.constant 0 : index
    %get3A_12 = arith.constant 0 : index
    %get3A_13 = vector.load %arg2[%get3A_11, %get3A_12] : memref<128x64xf32, #tpu.memory_space<vmem>>, vector<128x64xf32>
    %dot_general3A = arith.constant dense<0.000000e+00> : vector<1024x64xf32>
    %dot_general3A_14 = tpu.matmul %get3A_10, %get3A_13, %dot_general3A {dimension_numbers = #tpu.dot_dimension_numbers<[1], [0], [0], [1], [0, 0, 1, 1], [], []>, transpose_lhs_hint = false} : vector<1024x128xf32>, vector<128x64xf32>, vector<1024x64xf32> -> vector<1024x64xf32>
    %iota3A = tpu.iota {dimensions = array<i32: 0>} : vector<128x128xi32>
    %iota3A_15 = tpu.iota {dimensions = array<i32: 1>} : vector<128x128xi32>
    %eq3A = arith.cmpi eq, %iota3A, %iota3A_15 : vector<128x128xi32>
    %slice3A = vector.extract_strided_slice %rsqrt3A {offsets = [0, 0], sizes = [1, 128], strides = [1, 1]} : vector<1x1024xf32> to vector<1x128xf32>
    %broadcast_in_dim3A_16 = vector.shape_cast %slice3A : vector<1x128xf32> to vector<1x128xf32>
    %broadcast_in_dim3A_17 = vector.broadcast %broadcast_in_dim3A_16 : vector<1x128xf32> to vector<128x128xf32>
    %jit3A = arith.constant 0.000000e+00 : f32
    %broadcast_in_dim3A_18 = vector.broadcast %jit3A : f32 to vector<128x128xf32>
    %select_n3A = arith.select %eq3A, %broadcast_in_dim3A_17, %broadcast_in_dim3A_18 : vector<128x128xi1>, vector<128x128xf32>
    %slice3A_19 = vector.extract_strided_slice %dot_general3A_14 {offsets = [0, 0], sizes = [128, 64], strides = [1, 1]} : vector<1024x64xf32> to vector<128x64xf32>
    %dot_general3A_20 = arith.constant dense<0.000000e+00> : vector<128x64xf32>
    %dot_general3A_21 = tpu.matmul %select_n3A, %slice3A_19, %dot_general3A_20 {dimension_numbers = #tpu.dot_dimension_numbers<[1], [0], [0], [1], [0, 0, 1, 1], [], []>, transpose_lhs_hint = false} : vector<128x128xf32>, vector<128x64xf32>, vector<128x64xf32> -> vector<128x64xf32>
    %slice3A_22 = vector.extract_strided_slice %rsqrt3A {offsets = [0, 128], sizes = [1, 128], strides = [1, 1]} : vector<1x1024xf32> to vector<1x128xf32>
    %broadcast_in_dim3A_23 = vector.shape_cast %slice3A_22 : vector<1x128xf32> to vector<1x128xf32>
    %broadcast_in_dim3A_24 = vector.broadcast %broadcast_in_dim3A_23 : vector<1x128xf32> to vector<128x128xf32>
    %jit3A_25 = arith.constant 0.000000e+00 : f32
    %broadcast_in_dim3A_26 = vector.broadcast %jit3A_25 : f32 to vector<128x128xf32>
    %select_n3A_27 = arith.select %eq3A, %broadcast_in_dim3A_24, %broadcast_in_dim3A_26 : vector<128x128xi1>, vector<128x128xf32>
    %slice3A_28 = vector.extract_strided_slice %dot_general3A_14 {offsets = [128, 0], sizes = [128, 64], strides = [1, 1]} : vector<1024x64xf32> to vector<128x64xf32>
    %dot_general3A_29 = arith.constant dense<0.000000e+00> : vector<128x64xf32>
    %dot_general3A_30 = tpu.matmul %select_n3A_27, %slice3A_28, %dot_general3A_29 {dimension_numbers = #tpu.dot_dimension_numbers<[1], [0], [0], [1], [0, 0, 1, 1], [], []>, transpose_lhs_hint = false} : vector<128x128xf32>, vector<128x64xf32>, vector<128x64xf32> -> vector<128x64xf32>
    %slice3A_31 = vector.extract_strided_slice %rsqrt3A {offsets = [0, 256], sizes = [1, 128], strides = [1, 1]} : vector<1x1024xf32> to vector<1x128xf32>
    %broadcast_in_dim3A_32 = vector.shape_cast %slice3A_31 : vector<1x128xf32> to vector<1x128xf32>
    %broadcast_in_dim3A_33 = vector.broadcast %broadcast_in_dim3A_32 : vector<1x128xf32> to vector<128x128xf32>
    %jit3A_34 = arith.constant 0.000000e+00 : f32
    %broadcast_in_dim3A_35 = vector.broadcast %jit3A_34 : f32 to vector<128x128xf32>
    %select_n3A_36 = arith.select %eq3A, %broadcast_in_dim3A_33, %broadcast_in_dim3A_35 : vector<128x128xi1>, vector<128x128xf32>
    %slice3A_37 = vector.extract_strided_slice %dot_general3A_14 {offsets = [256, 0], sizes = [128, 64], strides = [1, 1]} : vector<1024x64xf32> to vector<128x64xf32>
    %dot_general3A_38 = arith.constant dense<0.000000e+00> : vector<128x64xf32>
    %dot_general3A_39 = tpu.matmul %select_n3A_36, %slice3A_37, %dot_general3A_38 {dimension_numbers = #tpu.dot_dimension_numbers<[1], [0], [0], [1], [0, 0, 1, 1], [], []>, transpose_lhs_hint = false} : vector<128x128xf32>, vector<128x64xf32>, vector<128x64xf32> -> vector<128x64xf32>
    %slice3A_40 = vector.extract_strided_slice %rsqrt3A {offsets = [0, 384], sizes = [1, 128], strides = [1, 1]} : vector<1x1024xf32> to vector<1x128xf32>
    %broadcast_in_dim3A_41 = vector.shape_cast %slice3A_40 : vector<1x128xf32> to vector<1x128xf32>
    %broadcast_in_dim3A_42 = vector.broadcast %broadcast_in_dim3A_41 : vector<1x128xf32> to vector<128x128xf32>
    %jit3A_43 = arith.constant 0.000000e+00 : f32
    %broadcast_in_dim3A_44 = vector.broadcast %jit3A_43 : f32 to vector<128x128xf32>
    %select_n3A_45 = arith.select %eq3A, %broadcast_in_dim3A_42, %broadcast_in_dim3A_44 : vector<128x128xi1>, vector<128x128xf32>
    %slice3A_46 = vector.extract_strided_slice %dot_general3A_14 {offsets = [384, 0], sizes = [128, 64], strides = [1, 1]} : vector<1024x64xf32> to vector<128x64xf32>
    %dot_general3A_47 = arith.constant dense<0.000000e+00> : vector<128x64xf32>
    %dot_general3A_48 = tpu.matmul %select_n3A_45, %slice3A_46, %dot_general3A_47 {dimension_numbers = #tpu.dot_dimension_numbers<[1], [0], [0], [1], [0, 0, 1, 1], [], []>, transpose_lhs_hint = false} : vector<128x128xf32>, vector<128x64xf32>, vector<128x64xf32> -> vector<128x64xf32>
    %slice3A_49 = vector.extract_strided_slice %rsqrt3A {offsets = [0, 512], sizes = [1, 128], strides = [1, 1]} : vector<1x1024xf32> to vector<1x128xf32>
    %broadcast_in_dim3A_50 = vector.shape_cast %slice3A_49 : vector<1x128xf32> to vector<1x128xf32>
    %broadcast_in_dim3A_51 = vector.broadcast %broadcast_in_dim3A_50 : vector<1x128xf32> to vector<128x128xf32>
    %jit3A_52 = arith.constant 0.000000e+00 : f32
    %broadcast_in_dim3A_53 = vector.broadcast %jit3A_52 : f32 to vector<128x128xf32>
    %select_n3A_54 = arith.select %eq3A, %broadcast_in_dim3A_51, %broadcast_in_dim3A_53 : vector<128x128xi1>, vector<128x128xf32>
    %slice3A_55 = vector.extract_strided_slice %dot_general3A_14 {offsets = [512, 0], sizes = [128, 64], strides = [1, 1]} : vector<1024x64xf32> to vector<128x64xf32>
    %dot_general3A_56 = arith.constant dense<0.000000e+00> : vector<128x64xf32>
    %dot_general3A_57 = tpu.matmul %select_n3A_54, %slice3A_55, %dot_general3A_56 {dimension_numbers = #tpu.dot_dimension_numbers<[1], [0], [0], [1], [0, 0, 1, 1], [], []>, transpose_lhs_hint = false} : vector<128x128xf32>, vector<128x64xf32>, vector<128x64xf32> -> vector<128x64xf32>
    %slice3A_58 = vector.extract_strided_slice %rsqrt3A {offsets = [0, 640], sizes = [1, 128], strides = [1, 1]} : vector<1x1024xf32> to vector<1x128xf32>
    %broadcast_in_dim3A_59 = vector.shape_cast %slice3A_58 : vector<1x128xf32> to vector<1x128xf32>
    %broadcast_in_dim3A_60 = vector.broadcast %broadcast_in_dim3A_59 : vector<1x128xf32> to vector<128x128xf32>
    %jit3A_61 = arith.constant 0.000000e+00 : f32
    %broadcast_in_dim3A_62 = vector.broadcast %jit3A_61 : f32 to vector<128x128xf32>
    %select_n3A_63 = arith.select %eq3A, %broadcast_in_dim3A_60, %broadcast_in_dim3A_62 : vector<128x128xi1>, vector<128x128xf32>
    %slice3A_64 = vector.extract_strided_slice %dot_general3A_14 {offsets = [640, 0], sizes = [128, 64], strides = [1, 1]} : vector<1024x64xf32> to vector<128x64xf32>
    %dot_general3A_65 = arith.constant dense<0.000000e+00> : vector<128x64xf32>
    %dot_general3A_66 = tpu.matmul %select_n3A_63, %slice3A_64, %dot_general3A_65 {dimension_numbers = #tpu.dot_dimension_numbers<[1], [0], [0], [1], [0, 0, 1, 1], [], []>, transpose_lhs_hint = false} : vector<128x128xf32>, vector<128x64xf32>, vector<128x64xf32> -> vector<128x64xf32>
    %slice3A_67 = vector.extract_strided_slice %rsqrt3A {offsets = [0, 768], sizes = [1, 128], strides = [1, 1]} : vector<1x1024xf32> to vector<1x128xf32>
    %broadcast_in_dim3A_68 = vector.shape_cast %slice3A_67 : vector<1x128xf32> to vector<1x128xf32>
    %broadcast_in_dim3A_69 = vector.broadcast %broadcast_in_dim3A_68 : vector<1x128xf32> to vector<128x128xf32>
    %jit3A_70 = arith.constant 0.000000e+00 : f32
    %broadcast_in_dim3A_71 = vector.broadcast %jit3A_70 : f32 to vector<128x128xf32>
    %select_n3A_72 = arith.select %eq3A, %broadcast_in_dim3A_69, %broadcast_in_dim3A_71 : vector<128x128xi1>, vector<128x128xf32>
    %slice3A_73 = vector.extract_strided_slice %dot_general3A_14 {offsets = [768, 0], sizes = [128, 64], strides = [1, 1]} : vector<1024x64xf32> to vector<128x64xf32>
    %dot_general3A_74 = arith.constant dense<0.000000e+00> : vector<128x64xf32>
    %dot_general3A_75 = tpu.matmul %select_n3A_72, %slice3A_73, %dot_general3A_74 {dimension_numbers = #tpu.dot_dimension_numbers<[1], [0], [0], [1], [0, 0, 1, 1], [], []>, transpose_lhs_hint = false} : vector<128x128xf32>, vector<128x64xf32>, vector<128x64xf32> -> vector<128x64xf32>
    %slice3A_76 = vector.extract_strided_slice %rsqrt3A {offsets = [0, 896], sizes = [1, 128], strides = [1, 1]} : vector<1x1024xf32> to vector<1x128xf32>
    %broadcast_in_dim3A_77 = vector.shape_cast %slice3A_76 : vector<1x128xf32> to vector<1x128xf32>
    %broadcast_in_dim3A_78 = vector.broadcast %broadcast_in_dim3A_77 : vector<1x128xf32> to vector<128x128xf32>
    %jit3A_79 = arith.constant 0.000000e+00 : f32
    %broadcast_in_dim3A_80 = vector.broadcast %jit3A_79 : f32 to vector<128x128xf32>
    %select_n3A_81 = arith.select %eq3A, %broadcast_in_dim3A_78, %broadcast_in_dim3A_80 : vector<128x128xi1>, vector<128x128xf32>
    %slice3A_82 = vector.extract_strided_slice %dot_general3A_14 {offsets = [896, 0], sizes = [128, 64], strides = [1, 1]} : vector<1024x64xf32> to vector<128x64xf32>
    %dot_general3A_83 = arith.constant dense<0.000000e+00> : vector<128x64xf32>
    %dot_general3A_84 = tpu.matmul %select_n3A_81, %slice3A_82, %dot_general3A_83 {dimension_numbers = #tpu.dot_dimension_numbers<[1], [0], [0], [1], [0, 0, 1, 1], [], []>, transpose_lhs_hint = false} : vector<128x128xf32>, vector<128x64xf32>, vector<128x64xf32> -> vector<128x64xf32>
    %concatenate3A = tpu.concatenate %dot_general3A_21, %dot_general3A_30, %dot_general3A_39, %dot_general3A_48, %dot_general3A_57, %dot_general3A_66, %dot_general3A_75, %dot_general3A_84 in 0 : vector<128x64xf32>, vector<128x64xf32>, vector<128x64xf32>, vector<128x64xf32>, vector<128x64xf32>, vector<128x64xf32>, vector<128x64xf32>, vector<128x64xf32> -> vector<1024x64xf32>
    %swap3A_85 = arith.constant 0 : index
    %swap3A_86 = arith.constant 0 : index
    %swap3A_87 = vector.load %arg4[%swap3A_85, %swap3A_86] : memref<1024x64xf32, #tpu.memory_space<vmem>>, vector<1024x64xf32>
    tpu.vector_store %arg4[%swap3A_85, %swap3A_86], %concatenate3A {strides = array<i32>} : memref<1024x64xf32, #tpu.memory_space<vmem>>, vector<1024x64xf32>,
    return
  }
  func.func @transform_0(%arg0: i32) -> (i32, i32) {
    %c0_i32 = arith.constant 0 : i32
    %c0_i32_0 = arith.constant 0 : i32
    return %arg0, %c0_i32 : i32, i32
  }
  func.func @transform_1(%arg0: i32) -> (i32, i32) {
    %c0_i32 = arith.constant 0 : i32
    %c0_i32_0 = arith.constant 0 : i32
    %c0_i32_1 = arith.constant 0 : i32
    return %c0_i32, %c0_i32_0 : i32, i32
  }
  func.func @transform_2(%arg0: i32) -> (i32, i32) {
    %c0_i32 = arith.constant 0 : i32
    %c0_i32_0 = arith.constant 0 : i32
    return %c0_i32, %arg0 : i32, i32
  }
  func.func @transform_3(%arg0: i32) -> (i32, i32) {
    %c0_i32 = arith.constant 0 : i32
    %c0_i32_0 = arith.constant 0 : i32
    return %arg0, %c0_i32 : i32, i32
  }
  func.func @transform_4(%arg0: i32) -> (i32, i32, i32) {
    %c0_i32 = arith.constant 0 : i32
    %c0_i32_0 = arith.constant 0 : i32
    %c0_i32_1 = arith.constant 0 : i32
    return %arg0, %c0_i32, %c0_i32_0 : i32, i32, i32
  }
}

module attributes {stable_mosaic.version = 14 : i64} {
  func.func @_k4_body(%arg0: i32, %arg1: memref<2x1024x64xf32, #tpu.memory_space<vmem>>, %arg2: memref<1024x64xf32, #tpu.memory_space<vmem>>, %arg3: memref<1x1x1024xf32, #tpu.memory_space<vmem>>, %arg4: memref<32x1024xf32, #tpu.memory_space<vmem>>, %arg5: memref<1x64xf32, #tpu.memory_space<vmem>>, %arg6: memref<64x64xf32, #tpu.memory_space<vmem>>, %arg7: memref<64x1xf32, #tpu.memory_space<vmem>>, %arg8: memref<1x1xf32, #tpu.memory_space<vmem>>, %arg9: memref<1x64xf32, #tpu.memory_space<vmem>>, %arg10: memref<1x1xf32, #tpu.memory_space<vmem>>, %arg11: memref<1x64xf32, #tpu.memory_space<vmem>>) attributes {dimension_semantics = [#tpu.dimension_semantics<arbitrary>], iteration_bounds = array<i64: 10>, scalar_prefetch = 0 : i64, scratch_operands = 1 : i64, tpu.core_type = #tpu.core_type<tc>, window_params = [{transform_indices = @transform_0, window_bounds = array<i64: 2, 1024, 64>}, {transform_indices = @transform_1, window_bounds = array<i64: 1024, 64>}, {transform_indices = @transform_2, window_bounds = array<i64: 1, 1, 1024>}, {transform_indices = @transform_3, window_bounds = array<i64: 32, 1024>}, {pipeline_mode = #tpu.pipeline_mode<synchronous>, transform_indices = @transform_4, window_bounds = array<i64: 1, 64>}, {pipeline_mode = #tpu.pipeline_mode<synchronous>, transform_indices = @transform_5, window_bounds = array<i64: 64, 64>}, {pipeline_mode = #tpu.pipeline_mode<synchronous>, transform_indices = @transform_6, window_bounds = array<i64: 64, 1>}, {pipeline_mode = #tpu.pipeline_mode<synchronous>, transform_indices = @transform_7, window_bounds = array<i64: 1, 1>}, {pipeline_mode = #tpu.pipeline_mode<synchronous>, transform_indices = @transform_8, window_bounds = array<i64: 1, 64>}, {pipeline_mode = #tpu.pipeline_mode<synchronous>, transform_indices = @transform_9, window_bounds = array<i64: 1, 1>}]} {
    %eq3A = arith.constant 0 : i32
    %eq3A_0 = arith.cmpi eq, %arg0, %eq3A : i32
    %convert_element_type3A = arith.extui %eq3A_0 : i1 to i32
    %cond3A = arith.constant 0 : i32
    %cond3A_1 = arith.cmpi ne, %convert_element_type3A, %cond3A : i32
    scf.if %cond3A_1 {
      %broadcast_in_dim3A_125 = arith.constant 0.000000e+00 : f32
      %broadcast_in_dim3A_126 = vector.broadcast %broadcast_in_dim3A_125 : f32 to vector<1x64xf32>
      %swap3A_127 = arith.constant 0 : index
      %swap3A_128 = arith.constant 0 : index
      %swap3A_129 = vector.load %arg11[%swap3A_127, %swap3A_128] : memref<1x64xf32, #tpu.memory_space<vmem>>, vector<1x64xf32>
      tpu.vector_store %arg11[%swap3A_127, %swap3A_128], %broadcast_in_dim3A_126 {strides = array<i32>} : memref<1x64xf32, #tpu.memory_space<vmem>>, vector<1x64xf32>,
    } else {
    }
    %get3A = arith.constant 0 : index
    %get3A_2 = arith.constant 0 : index
    %get3A_3 = arith.constant 0 : index
    %get3A_4 = vector.load %arg3[%get3A, %get3A_2, %get3A_3] : memref<1x1x1024xf32, #tpu.memory_space<vmem>>, vector<1x1x1024xf32>
    %get3A_5 = vector.shape_cast %get3A_4 : vector<1x1x1024xf32> to vector<1x1024xf32>
    %get3A_6 = arith.constant 0 : index
    %get3A_7 = arith.constant 0 : index
    %get3A_8 = arith.constant 0 : index
    %get3A_9 = vector.load %arg1[%get3A_6, %get3A_7, %get3A_8] : memref<2x1024x64xf32, #tpu.memory_space<vmem>>, vector<1x1024x64xf32>
    %get3A_10 = vector.shape_cast %get3A_9 : vector<1x1024x64xf32> to vector<1024x64xf32>
    %get3A_11 = arith.constant 1 : index
    %get3A_12 = arith.constant 0 : index
    %get3A_13 = arith.constant 0 : index
    %get3A_14 = vector.load %arg1[%get3A_11, %get3A_12, %get3A_13] : memref<2x1024x64xf32, #tpu.memory_space<vmem>>, vector<1x1024x64xf32>
    %get3A_15 = vector.shape_cast %get3A_14 : vector<1x1024x64xf32> to vector<1024x64xf32>
    %add3A = arith.addf %get3A_10, %get3A_15 : vector<1024x64xf32>
    %get3A_16 = arith.constant 0 : index
    %get3A_17 = arith.constant 0 : index
    %get3A_18 = vector.load %arg2[%get3A_16, %get3A_17] : memref<1024x64xf32, #tpu.memory_space<vmem>>, vector<1024x64xf32>
    %add3A_19 = arith.addf %add3A, %get3A_18 : vector<1024x64xf32>
    %iota3A = tpu.iota {dimensions = array<i32: 0>} : vector<128x128xi32>
    %iota3A_20 = tpu.iota {dimensions = array<i32: 1>} : vector<128x128xi32>
    %eq3A_21 = arith.cmpi eq, %iota3A, %iota3A_20 : vector<128x128xi32>
    %slice3A = vector.extract_strided_slice %get3A_5 {offsets = [0, 0], sizes = [1, 128], strides = [1, 1]} : vector<1x1024xf32> to vector<1x128xf32>
    %broadcast_in_dim3A = vector.shape_cast %slice3A : vector<1x128xf32> to vector<1x128xf32>
    %broadcast_in_dim3A_22 = vector.broadcast %broadcast_in_dim3A : vector<1x128xf32> to vector<128x128xf32>
    %jit3A = arith.constant 0.000000e+00 : f32
    %broadcast_in_dim3A_23 = vector.broadcast %jit3A : f32 to vector<128x128xf32>
    %select_n3A = arith.select %eq3A_21, %broadcast_in_dim3A_22, %broadcast_in_dim3A_23 : vector<128x128xi1>, vector<128x128xf32>
    %slice3A_24 = vector.extract_strided_slice %add3A_19 {offsets = [0, 0], sizes = [128, 64], strides = [1, 1]} : vector<1024x64xf32> to vector<128x64xf32>
    %dot_general3A = arith.constant dense<0.000000e+00> : vector<128x64xf32>
    %dot_general3A_25 = tpu.matmul %select_n3A, %slice3A_24, %dot_general3A {dimension_numbers = #tpu.dot_dimension_numbers<[1], [0], [0], [1], [0, 0, 1, 1], [], []>, transpose_lhs_hint = false} : vector<128x128xf32>, vector<128x64xf32>, vector<128x64xf32> -> vector<128x64xf32>
    %slice3A_26 = vector.extract_strided_slice %get3A_5 {offsets = [0, 128], sizes = [1, 128], strides = [1, 1]} : vector<1x1024xf32> to vector<1x128xf32>
    %broadcast_in_dim3A_27 = vector.shape_cast %slice3A_26 : vector<1x128xf32> to vector<1x128xf32>
    %broadcast_in_dim3A_28 = vector.broadcast %broadcast_in_dim3A_27 : vector<1x128xf32> to vector<128x128xf32>
    %jit3A_29 = arith.constant 0.000000e+00 : f32
    %broadcast_in_dim3A_30 = vector.broadcast %jit3A_29 : f32 to vector<128x128xf32>
    %select_n3A_31 = arith.select %eq3A_21, %broadcast_in_dim3A_28, %broadcast_in_dim3A_30 : vector<128x128xi1>, vector<128x128xf32>
    %slice3A_32 = vector.extract_strided_slice %add3A_19 {offsets = [128, 0], sizes = [128, 64], strides = [1, 1]} : vector<1024x64xf32> to vector<128x64xf32>
    %dot_general3A_33 = arith.constant dense<0.000000e+00> : vector<128x64xf32>
    %dot_general3A_34 = tpu.matmul %select_n3A_31, %slice3A_32, %dot_general3A_33 {dimension_numbers = #tpu.dot_dimension_numbers<[1], [0], [0], [1], [0, 0, 1, 1], [], []>, transpose_lhs_hint = false} : vector<128x128xf32>, vector<128x64xf32>, vector<128x64xf32> -> vector<128x64xf32>
    %slice3A_35 = vector.extract_strided_slice %get3A_5 {offsets = [0, 256], sizes = [1, 128], strides = [1, 1]} : vector<1x1024xf32> to vector<1x128xf32>
    %broadcast_in_dim3A_36 = vector.shape_cast %slice3A_35 : vector<1x128xf32> to vector<1x128xf32>
    %broadcast_in_dim3A_37 = vector.broadcast %broadcast_in_dim3A_36 : vector<1x128xf32> to vector<128x128xf32>
    %jit3A_38 = arith.constant 0.000000e+00 : f32
    %broadcast_in_dim3A_39 = vector.broadcast %jit3A_38 : f32 to vector<128x128xf32>
    %select_n3A_40 = arith.select %eq3A_21, %broadcast_in_dim3A_37, %broadcast_in_dim3A_39 : vector<128x128xi1>, vector<128x128xf32>
    %slice3A_41 = vector.extract_strided_slice %add3A_19 {offsets = [256, 0], sizes = [128, 64], strides = [1, 1]} : vector<1024x64xf32> to vector<128x64xf32>
    %dot_general3A_42 = arith.constant dense<0.000000e+00> : vector<128x64xf32>
    %dot_general3A_43 = tpu.matmul %select_n3A_40, %slice3A_41, %dot_general3A_42 {dimension_numbers = #tpu.dot_dimension_numbers<[1], [0], [0], [1], [0, 0, 1, 1], [], []>, transpose_lhs_hint = false} : vector<128x128xf32>, vector<128x64xf32>, vector<128x64xf32> -> vector<128x64xf32>
    %slice3A_44 = vector.extract_strided_slice %get3A_5 {offsets = [0, 384], sizes = [1, 128], strides = [1, 1]} : vector<1x1024xf32> to vector<1x128xf32>
    %broadcast_in_dim3A_45 = vector.shape_cast %slice3A_44 : vector<1x128xf32> to vector<1x128xf32>
    %broadcast_in_dim3A_46 = vector.broadcast %broadcast_in_dim3A_45 : vector<1x128xf32> to vector<128x128xf32>
    %jit3A_47 = arith.constant 0.000000e+00 : f32
    %broadcast_in_dim3A_48 = vector.broadcast %jit3A_47 : f32 to vector<128x128xf32>
    %select_n3A_49 = arith.select %eq3A_21, %broadcast_in_dim3A_46, %broadcast_in_dim3A_48 : vector<128x128xi1>, vector<128x128xf32>
    %slice3A_50 = vector.extract_strided_slice %add3A_19 {offsets = [384, 0], sizes = [128, 64], strides = [1, 1]} : vector<1024x64xf32> to vector<128x64xf32>
    %dot_general3A_51 = arith.constant dense<0.000000e+00> : vector<128x64xf32>
    %dot_general3A_52 = tpu.matmul %select_n3A_49, %slice3A_50, %dot_general3A_51 {dimension_numbers = #tpu.dot_dimension_numbers<[1], [0], [0], [1], [0, 0, 1, 1], [], []>, transpose_lhs_hint = false} : vector<128x128xf32>, vector<128x64xf32>, vector<128x64xf32> -> vector<128x64xf32>
    %slice3A_53 = vector.extract_strided_slice %get3A_5 {offsets = [0, 512], sizes = [1, 128], strides = [1, 1]} : vector<1x1024xf32> to vector<1x128xf32>
    %broadcast_in_dim3A_54 = vector.shape_cast %slice3A_53 : vector<1x128xf32> to vector<1x128xf32>
    %broadcast_in_dim3A_55 = vector.broadcast %broadcast_in_dim3A_54 : vector<1x128xf32> to vector<128x128xf32>
    %jit3A_56 = arith.constant 0.000000e+00 : f32
    %broadcast_in_dim3A_57 = vector.broadcast %jit3A_56 : f32 to vector<128x128xf32>
    %select_n3A_58 = arith.select %eq3A_21, %broadcast_in_dim3A_55, %broadcast_in_dim3A_57 : vector<128x128xi1>, vector<128x128xf32>
    %slice3A_59 = vector.extract_strided_slice %add3A_19 {offsets = [512, 0], sizes = [128, 64], strides = [1, 1]} : vector<1024x64xf32> to vector<128x64xf32>
    %dot_general3A_60 = arith.constant dense<0.000000e+00> : vector<128x64xf32>
    %dot_general3A_61 = tpu.matmul %select_n3A_58, %slice3A_59, %dot_general3A_60 {dimension_numbers = #tpu.dot_dimension_numbers<[1], [0], [0], [1], [0, 0, 1, 1], [], []>, transpose_lhs_hint = false} : vector<128x128xf32>, vector<128x64xf32>, vector<128x64xf32> -> vector<128x64xf32>
    %slice3A_62 = vector.extract_strided_slice %get3A_5 {offsets = [0, 640], sizes = [1, 128], strides = [1, 1]} : vector<1x1024xf32> to vector<1x128xf32>
    %broadcast_in_dim3A_63 = vector.shape_cast %slice3A_62 : vector<1x128xf32> to vector<1x128xf32>
    %broadcast_in_dim3A_64 = vector.broadcast %broadcast_in_dim3A_63 : vector<1x128xf32> to vector<128x128xf32>
    %jit3A_65 = arith.constant 0.000000e+00 : f32
    %broadcast_in_dim3A_66 = vector.broadcast %jit3A_65 : f32 to vector<128x128xf32>
    %select_n3A_67 = arith.select %eq3A_21, %broadcast_in_dim3A_64, %broadcast_in_dim3A_66 : vector<128x128xi1>, vector<128x128xf32>
    %slice3A_68 = vector.extract_strided_slice %add3A_19 {offsets = [640, 0], sizes = [128, 64], strides = [1, 1]} : vector<1024x64xf32> to vector<128x64xf32>
    %dot_general3A_69 = arith.constant dense<0.000000e+00> : vector<128x64xf32>
    %dot_general3A_70 = tpu.matmul %select_n3A_67, %slice3A_68, %dot_general3A_69 {dimension_numbers = #tpu.dot_dimension_numbers<[1], [0], [0], [1], [0, 0, 1, 1], [], []>, transpose_lhs_hint = false} : vector<128x128xf32>, vector<128x64xf32>, vector<128x64xf32> -> vector<128x64xf32>
    %slice3A_71 = vector.extract_strided_slice %get3A_5 {offsets = [0, 768], sizes = [1, 128], strides = [1, 1]} : vector<1x1024xf32> to vector<1x128xf32>
    %broadcast_in_dim3A_72 = vector.shape_cast %slice3A_71 : vector<1x128xf32> to vector<1x128xf32>
    %broadcast_in_dim3A_73 = vector.broadcast %broadcast_in_dim3A_72 : vector<1x128xf32> to vector<128x128xf32>
    %jit3A_74 = arith.constant 0.000000e+00 : f32
    %broadcast_in_dim3A_75 = vector.broadcast %jit3A_74 : f32 to vector<128x128xf32>
    %select_n3A_76 = arith.select %eq3A_21, %broadcast_in_dim3A_73, %broadcast_in_dim3A_75 : vector<128x128xi1>, vector<128x128xf32>
    %slice3A_77 = vector.extract_strided_slice %add3A_19 {offsets = [768, 0], sizes = [128, 64], strides = [1, 1]} : vector<1024x64xf32> to vector<128x64xf32>
    %dot_general3A_78 = arith.constant dense<0.000000e+00> : vector<128x64xf32>
    %dot_general3A_79 = tpu.matmul %select_n3A_76, %slice3A_77, %dot_general3A_78 {dimension_numbers = #tpu.dot_dimension_numbers<[1], [0], [0], [1], [0, 0, 1, 1], [], []>, transpose_lhs_hint = false} : vector<128x128xf32>, vector<128x64xf32>, vector<128x64xf32> -> vector<128x64xf32>
    %slice3A_80 = vector.extract_strided_slice %get3A_5 {offsets = [0, 896], sizes = [1, 128], strides = [1, 1]} : vector<1x1024xf32> to vector<1x128xf32>
    %broadcast_in_dim3A_81 = vector.shape_cast %slice3A_80 : vector<1x128xf32> to vector<1x128xf32>
    %broadcast_in_dim3A_82 = vector.broadcast %broadcast_in_dim3A_81 : vector<1x128xf32> to vector<128x128xf32>
    %jit3A_83 = arith.constant 0.000000e+00 : f32
    %broadcast_in_dim3A_84 = vector.broadcast %jit3A_83 : f32 to vector<128x128xf32>
    %select_n3A_85 = arith.select %eq3A_21, %broadcast_in_dim3A_82, %broadcast_in_dim3A_84 : vector<128x128xi1>, vector<128x128xf32>
    %slice3A_86 = vector.extract_strided_slice %add3A_19 {offsets = [896, 0], sizes = [128, 64], strides = [1, 1]} : vector<1024x64xf32> to vector<128x64xf32>
    %dot_general3A_87 = arith.constant dense<0.000000e+00> : vector<128x64xf32>
    %dot_general3A_88 = tpu.matmul %select_n3A_85, %slice3A_86, %dot_general3A_87 {dimension_numbers = #tpu.dot_dimension_numbers<[1], [0], [0], [1], [0, 0, 1, 1], [], []>, transpose_lhs_hint = false} : vector<128x128xf32>, vector<128x64xf32>, vector<128x64xf32> -> vector<128x64xf32>
    %concatenate3A = tpu.concatenate %dot_general3A_25, %dot_general3A_34, %dot_general3A_43, %dot_general3A_52, %dot_general3A_61, %dot_general3A_70, %dot_general3A_79, %dot_general3A_88 in 0 : vector<128x64xf32>, vector<128x64xf32>, vector<128x64xf32>, vector<128x64xf32>, vector<128x64xf32>, vector<128x64xf32>, vector<128x64xf32>, vector<128x64xf32> -> vector<1024x64xf32>
    %get3A_89 = arith.constant 0 : index
    %get3A_90 = arith.constant 0 : index
    %get3A_91 = vector.load %arg5[%get3A_89, %get3A_90] : memref<1x64xf32, #tpu.memory_space<vmem>>, vector<1x64xf32>
    %add3A_92 = vector.broadcast %get3A_91 : vector<1x64xf32> to vector<1024x64xf32>
    %add3A_93 = arith.addf %concatenate3A, %add3A_92 : vector<1024x64xf32>
    %max3A = arith.constant 0.000000e+00 : f32
    %max3A_94 = vector.broadcast %max3A : f32 to vector<1024x64xf32>
    %max3A_95 = arith.maximumf %add3A_93, %max3A_94 : vector<1024x64xf32>
    %get3A_96 = arith.constant 0 : index
    %get3A_97 = arith.constant 0 : index
    %get3A_98 = vector.load %arg4[%get3A_96, %get3A_97] : memref<32x1024xf32, #tpu.memory_space<vmem>>, vector<32x1024xf32>
    %reduce_sum3A = arith.constant dense<0.000000e+00> : vector<1024xf32>
    %reduce_sum3A_99 = vector.multi_reduction <add>, %get3A_98, %reduce_sum3A [0] : vector<32x1024xf32> to vector<1024xf32>
    %broadcast_in_dim3A_100 = vector.shape_cast %reduce_sum3A_99 : vector<1024xf32> to vector<1x1024xf32>
    %iota3A_101 = tpu.iota {dimensions = array<i32: 1>} : vector<1x1024xi32>
    %mul3A = arith.constant 1024 : i32
    %mul3A_102 = arith.muli %arg0, %mul3A : i32
    %add3A_103 = vector.broadcast %mul3A_102 : i32 to vector<1x1024xi32>
    %add3A_104 = arith.addi %iota3A_101, %add3A_103 : vector<1x1024xi32>
    %lt3A = arith.constant 10000 : i32
    %lt3A_105 = vector.broadcast %lt3A : i32 to vector<1x1024xi32>
    %lt3A_106 = arith.cmpi slt, %add3A_104, %lt3A_105 : vector<1x1024xi32>
    %add3A_107 = arith.addf %broadcast_in_dim3A_100, %get3A_5 : vector<1x1024xf32>
    %mul3A_108 = arith.mulf %get3A_5, %add3A_107 : vector<1x1024xf32>
    %jit3A_109 = arith.constant 0.000000e+00 : f32
    %broadcast_in_dim3A_110 = vector.broadcast %jit3A_109 : f32 to vector<1x1024xf32>
    %select_n3A_111 = arith.select %lt3A_106, %mul3A_108, %broadcast_in_dim3A_110 : vector<1x1024xi1>, vector<1x1024xf32>
    %get3A_112 = arith.constant 0 : index
    %get3A_113 = arith.constant 0 : index
    %get3A_114 = vector.load %arg11[%get3A_112, %get3A_113] : memref<1x64xf32, #tpu.memory_space<vmem>>, vector<1x64xf32>
    %dot_general3A_115 = arith.constant dense<0.000000e+00> : vector<1x64xf32>
    %dot_general3A_116 = tpu.matmul %select_n3A_111, %max3A_95, %dot_general3A_115 {dimension_numbers = #tpu.dot_dimension_numbers<[1], [0], [0], [1], [0, 0, 1, 1], [], []>, transpose_lhs_hint = false} : vector<1x1024xf32>, vector<1024x64xf32>, vector<1x64xf32> -> vector<1x64xf32>
    %add3A_117 = arith.addf %get3A_114, %dot_general3A_116 : vector<1x64xf32>
    %swap3A = arith.constant 0 : index
    %swap3A_118 = arith.constant 0 : index
    %swap3A_119 = vector.load %arg11[%swap3A, %swap3A_118] : memref<1x64xf32, #tpu.memory_space<vmem>>, vector<1x64xf32>
    tpu.vector_store %arg11[%swap3A, %swap3A_118], %add3A_117 {strides = array<i32>} : memref<1x64xf32, #tpu.memory_space<vmem>>, vector<1x64xf32>,
    %eq3A_120 = arith.constant 9 : i32
    %eq3A_121 = arith.cmpi eq, %arg0, %eq3A_120 : i32
    %convert_element_type3A_122 = arith.extui %eq3A_121 : i1 to i32
    %cond3A_123 = arith.constant 0 : i32
    %cond3A_124 = arith.cmpi ne, %convert_element_type3A_122, %cond3A_123 : i32
    scf.if %cond3A_124 {
      %get3A_125 = arith.constant 0 : index
      %get3A_126 = arith.constant 0 : index
      %get3A_127 = vector.load %arg11[%get3A_125, %get3A_126] : memref<1x64xf32, #tpu.memory_space<vmem>>, vector<1x64xf32>
      %div3A = arith.constant 1.000000e+04 : f32
      %div3A_128 = vector.broadcast %div3A : f32 to vector<1x64xf32>
      %div3A_129 = arith.divf %get3A_127, %div3A_128 : vector<1x64xf32>
      %get3A_130 = arith.constant 0 : index
      %get3A_131 = arith.constant 0 : index
      %get3A_132 = vector.load %arg6[%get3A_130, %get3A_131] : memref<64x64xf32, #tpu.memory_space<vmem>>, vector<64x64xf32>
      %dot_general3A_133 = arith.constant dense<0.000000e+00> : vector<1x64xf32>
      %dot_general3A_134 = tpu.matmul %div3A_129, %get3A_132, %dot_general3A_133 {dimension_numbers = #tpu.dot_dimension_numbers<[1], [0], [0], [1], [0, 0, 1, 1], [], []>, transpose_lhs_hint = false} : vector<1x64xf32>, vector<64x64xf32>, vector<1x64xf32> -> vector<1x64xf32>
      %get3A_135 = arith.constant 0 : index
      %get3A_136 = arith.constant 0 : index
      %get3A_137 = vector.load %arg9[%get3A_135, %get3A_136] : memref<1x64xf32, #tpu.memory_space<vmem>>, vector<1x64xf32>
      %add3A_138 = arith.addf %dot_general3A_134, %get3A_137 : vector<1x64xf32>
      %get3A_139 = arith.constant 0 : index
      %get3A_140 = arith.constant 0 : index
      %get3A_141 = vector.load %arg7[%get3A_139, %get3A_140] : memref<64x1xf32, #tpu.memory_space<vmem>>, vector<64x1xf32>
      %dot_general3A_142 = arith.constant dense<0.000000e+00> : vector<1x1xf32>
      %dot_general3A_143 = tpu.matmul %add3A_138, %get3A_141, %dot_general3A_142 {dimension_numbers = #tpu.dot_dimension_numbers<[1], [0], [0], [1], [0, 0, 1, 1], [], []>, transpose_lhs_hint = false} : vector<1x64xf32>, vector<64x1xf32>, vector<1x1xf32> -> vector<1x1xf32>
      %get3A_144 = arith.constant 0 : index
      %get3A_145 = arith.constant 0 : index
      %get3A_146 = vector.load %arg8[%get3A_144, %get3A_145] : memref<1x1xf32, #tpu.memory_space<vmem>>, vector<1x1xf32>
      %add3A_147 = arith.addf %dot_general3A_143, %get3A_146 : vector<1x1xf32>
      %logistic3A = arith.negf %add3A_147 : vector<1x1xf32>
      %logistic3A_148 = math.exp %logistic3A : vector<1x1xf32>
      %logistic3A_149 = arith.constant 1.000000e+00 : f32
      %logistic3A_150 = vector.broadcast %logistic3A_149 : f32 to vector<1x1xf32>
      %logistic3A_151 = arith.addf %logistic3A_150, %logistic3A_148 : vector<1x1xf32>
      %logistic3A_152 = arith.divf %logistic3A_150, %logistic3A_151 : vector<1x1xf32>
      %swap3A_153 = arith.constant 0 : index
      %swap3A_154 = arith.constant 0 : index
      %swap3A_155 = vector.load %arg10[%swap3A_153, %swap3A_154] : memref<1x1xf32, #tpu.memory_space<vmem>>, vector<1x1xf32>
      tpu.vector_store %arg10[%swap3A_153, %swap3A_154], %logistic3A_152 {strides = array<i32>} : memref<1x1xf32, #tpu.memory_space<vmem>>, vector<1x1xf32>,
    } else {
    }
    return
  }
  func.func @transform_0(%arg0: i32) -> (i32, i32, i32) {
    %c0_i32 = arith.constant 0 : i32
    %c0_i32_0 = arith.constant 0 : i32
    %c0_i32_1 = arith.constant 0 : i32
    return %c0_i32, %arg0, %c0_i32_0 : i32, i32, i32
  }
  func.func @transform_1(%arg0: i32) -> (i32, i32) {
    %c0_i32 = arith.constant 0 : i32
    %c0_i32_0 = arith.constant 0 : i32
    return %arg0, %c0_i32 : i32, i32
  }
  func.func @transform_2(%arg0: i32) -> (i32, i32, i32) {
    %c0_i32 = arith.constant 0 : i32
    %c0_i32_0 = arith.constant 0 : i32
    %c0_i32_1 = arith.constant 0 : i32
    return %arg0, %c0_i32, %c0_i32_0 : i32, i32, i32
  }
  func.func @transform_3(%arg0: i32) -> (i32, i32) {
    %c0_i32 = arith.constant 0 : i32
    %c0_i32_0 = arith.constant 0 : i32
    return %c0_i32, %arg0 : i32, i32
  }
  func.func @transform_4(%arg0: i32) -> (i32, i32) {
    %c0_i32 = arith.constant 0 : i32
    %c0_i32_0 = arith.constant 0 : i32
    %c0_i32_1 = arith.constant 0 : i32
    return %c0_i32, %c0_i32_0 : i32, i32
  }
  func.func @transform_5(%arg0: i32) -> (i32, i32) {
    %c0_i32 = arith.constant 0 : i32
    %c0_i32_0 = arith.constant 0 : i32
    %c0_i32_1 = arith.constant 0 : i32
    return %c0_i32, %c0_i32_0 : i32, i32
  }
  func.func @transform_6(%arg0: i32) -> (i32, i32) {
    %c0_i32 = arith.constant 0 : i32
    %c0_i32_0 = arith.constant 0 : i32
    %c0_i32_1 = arith.constant 0 : i32
    return %c0_i32, %c0_i32_0 : i32, i32
  }
  func.func @transform_7(%arg0: i32) -> (i32, i32) {
    %c0_i32 = arith.constant 0 : i32
    %c0_i32_0 = arith.constant 0 : i32
    %c0_i32_1 = arith.constant 0 : i32
    return %c0_i32, %c0_i32_0 : i32, i32
  }
  func.func @transform_8(%arg0: i32) -> (i32, i32) {
    %c0_i32 = arith.constant 0 : i32
    %c0_i32_0 = arith.constant 0 : i32
    %c0_i32_1 = arith.constant 0 : i32
    return %c0_i32, %c0_i32_0 : i32, i32
  }
  func.func @transform_9(%arg0: i32) -> (i32, i32) {
    %c0_i32 = arith.constant 0 : i32
    %c0_i32_0 = arith.constant 0 : i32
    %c0_i32_1 = arith.constant 0 : i32
    return %c0_i32, %c0_i32_0 : i32, i32
  }
}

</mosaic_0001>

<sc_bundles>
// kernel: kernel.6.cloned.1.call-start
scs
__scs_entry_jumppad:
0x0: {  	(pc) =	sbr.rel $0x88, $3  }
0x1: {  	(tag) =	ssettag $0x0;
	lr =	simm.s32 $0x1  }
0x2: {  	[smem:$0x3F99] =	sst lr;
	_ =	strace $0xD0000000  }
0x3: {  	_ = 	snop  }
0x4: {  	_ = 	snop  }
0x5: {  	_ = 	snop  }
0x6: {  	_ = 	snop  }
0x7: {  	_ = 	snop  }
__scs_overlays_trampoline_lowered:
0x8: {  	[smem:$0x3FA8] =	sst s0  }
0x9: {  	[smem:$0x3FA9] =	sst s1  }
0xa: {  	[smem:$0x3FAA] =	sst s2  }
0xb: {  	[smem:$0x3FAB] =	sst s3  }
0xc: {  	[smem:$0x3FAC] =	sst s4  }
0xd: {  	[smem:$0x3FAD] =	sst s5  }
0xe: {  	[smem:$0x3FAE] =	sst s6  }
0xf: {  	[smem:$0x3FAF] =	sst s7  }
0x10: {  	[smem:$0x3FB0] =	sst s8  }
0x11: {  	[smem:$0x3FB1] =	sst s9;
	s0 =	simm.s32 @!p0 $0x0  }
0x12: {  	s1 =	sld [smem:$0x3F97];
	s0 =	simm.s32 @p0 $0x1  }
0x13: {  	[smem:$0x3FB2] =	sst s0;
	s0 =	simm.s32 @!p1 $0x0  }
0x14: {  	s2 =	sld [smem:$0x3F96];
	s0 =	simm.s32 @p1 $0x1  }
0x15: {  	[smem:$0x3FB3] =	sst s0;
	s0 =	simm.s32 @!p2 $0x0  }
0x16: {  	s3 =	sld [smem:$0x3FDB];
	s0 =	simm.s32 @p2 $0x1  }
0x17: {  	s4 =	simm.s32 $0x1BF5;
	[smem:$0x3FB5] =	sst s0  }
0x18: {  	s0 =	sld [smem:$0x3F98];
	_ =	swait.ge [sflag:s4], $0x0  }
0x19: {  	s7 =	sld [smem:$0x3F99]  }
0x1a: {  	s8 =	sadd.s32 $0xFFFFE003, lr  }
0x1b: {  	s9 =	sadd.s32 $0xFFFFFEF7, lr;
	s5 =	simm.s32 $0xFFFFFFFF;
	p2 =	slt.u32 s8, $0xFFFFF086  }
0x1c: {  	p1 =	slt.u32 s9, $0xF7A;
	s5 =	simm.s32 @!p2 $0x0  }
0x1d: {  	s5 =	simm.s32 @p1 $0x1;
	p0 =	seq.s32 s7, s2  }
0x1e: {  	s7 =	smul.u32 @!p0 $0xF7A, s2;
	p2 =	seq.s32 @!p0 s5, $0x0  }
0x1f: {  	s9 =	smul.u32 $0xF7A, s1;
	s8 =	simm.s32 @!p0 $0x1BF5;
	p2 =	por !p2, p0  }
0x20: {  	[sflag:s8] =	ssyncset.s32 @!p0 $0xFFFFF086;
	s6 =	sadd.s32 @!p0 s3, s7;
	s7 =	simm.s32 @!p0 $0x108  }
0x21: {  	s3 =	sadd.s32 s3, s9;
	s6 =	sadd.s32 @!p0 $0x88, s6;
	s7 =	simm.s32 @p2 $0x1082  }
0x22: {  	[simem:s7], [sflag:s8] =	dma.local @!p0 [hbm:s6], $0xF7A  }
0x23: {  	s9 =	sor.u32 $0xD0000000, s2;
	s6 =	simm.s32 $0x108;
	_ =	swait.ge @!p0 [sflag:s8], $0x0  }
0x24: {  	s3 =	sadd.s32 $0x88, s3;
	s6 =	simm.s32 @!p1 $0x1082;
	[sflag:s4] =	ssyncset.s32 $0xFFFFF086  }
0x25: {  	[simem:s6], [sflag:s4] =	dma.local [hbm:s3], $0xF7A  }
0x26: {  	[smem:$0x3F99] =	sst s1;
	(tag) =	ssettag s2;
	_ =	strace s9  }
0x27: {  	s1 =	sld [smem:$0x3FA9]  }
0x28: {  	s2 =	sld [smem:$0x3FAA]  }
0x29: {  	s4 =	sld [smem:$0x3FAC]  }
0x2a: {  	p0 =	seq.s32 s5, $0x0;
	s5 =	sld [smem:$0x3FAD]  }
0x2b: {  	s6 =	sld [smem:$0x3FAE]  }
0x2c: {  	s7 =	sld [smem:$0x3FAF]  }
0x2d: {  	s3 =	simm.s32 $0x108;
	s8 =	sld [smem:$0x3FB0]  }
0x2e: {  	s3 =	simm.s32 @!p0 $0x1082;
	s9 =	sld [smem:$0x3FB1]  }
0x2f: {  	lr =	sadd.s32 s0, s3;
	s0 =	sld [smem:$0x3FA8]  }
0x30: {  	s3 =	sld [smem:$0x3FAB]  }
0x31: {  	[smem:$0x3FB4] =	sst s10  }
0x32: {  	s10 =	sld [smem:$0x3FB2];
	_ =	sdelay $0x3  }
0x33: {  	p0 =	seq.s32 s10, $0x1;
	s10 =	sld [smem:$0x3FB4];
	_ =	sdelay $0x3  }
0x34: {  	[smem:$0x3FB4] =	sst s10  }
0x35: {  	s10 =	sld [smem:$0x3FB3];
	_ =	sdelay $0x3  }
0x36: {  	p1 =	seq.s32 s10, $0x1;
	s10 =	sld [smem:$0x3FB4];
	_ =	sdelay $0x3  }
0x37: {  	[smem:$0x3FB4] =	sst s10  }
0x38: {  	s10 =	sld [smem:$0x3FB5]  }
0x39: {  	_ = 	snop;
	(pc) =	sbr.ind lr, $3  }
0x3a: {  	_ = 	snop  }
0x3b: {  	_ = 	snop  }
0x3c: {  	p2 =	seq.s32 s10, $0x1;
	s10 =	sld [smem:$0x3FB4]  }
0x3d: {  	_ =	shalt  }
0x3e: {  	_ =	shalt  }
0x3f: {  	_ =	shalt  }
0x40: {  	_ =	shalt  }
0x41: {  	_ =	shalt  }
0x42: {  	_ =	shalt  }
0x43: {  	_ =	shalt  }
0x44: {  	_ =	shalt  }
0x45: {  	_ =	shalt  }
0x46: {  	_ =	shalt  }
0x47: {  	_ =	shalt  }
0x48: {  	_ =	shalt  }
0x49: {  	_ =	shalt  }
0x4a: {  	_ =	shalt  }
0x4b: {  	_ =	shalt  }
0x4c: {  	_ =	shalt  }
0x4d: {  	_ =	shalt  }
0x4e: {  	_ =	shalt  }
0x4f: {  	_ =	shalt  }
0x50: {  	_ =	shalt  }
0x51: {  	_ =	shalt  }
0x52: {  	_ =	shalt  }
0x53: {  	_ =	shalt  }
0x54: {  	_ =	shalt  }
0x55: {  	_ =	shalt  }
0x56: {  	_ =	shalt  }
0x57: {  	_ =	shalt  }
0x58: {  	_ =	shalt  }
0x59: {  	_ =	shalt  }
0x5a: {  	_ =	shalt  }
0x5b: {  	_ =	shalt  }
0x5c: {  	_ =	shalt  }
0x5d: {  	_ =	shalt  }
0x5e: {  	_ =	shalt  }
0x5f: {  	_ =	shalt  }
0x60: {  	_ =	shalt  }
0x61: {  	_ =	shalt  }
0x62: {  	_ =	shalt  }
0x63: {  	_ =	shalt  }
0x64: {  	_ =	shalt  }
0x65: {  	_ =	shalt  }
0x66: {  	_ =	shalt  }
0x67: {  	_ =	shalt  }
0x68: {  	_ =	shalt  }
0x69: {  	_ =	shalt  }
0x6a: {  	_ =	shalt  }
0x6b: {  	_ =	shalt  }
0x6c: {  	_ =	shalt  }
0x6d: {  	_ =	shalt  }
0x6e: {  	_ =	shalt  }
0x6f: {  	_ =	shalt  }
0x70: {  	_ =	shalt  }
0x71: {  	_ =	shalt  }
0x72: {  	_ =	shalt  }
0x73: {  	_ =	shalt  }
0x74: {  	_ =	shalt  }
0x75: {  	_ =	shalt  }
0x76: {  	_ =	shalt  }
0x77: {  	_ =	shalt  }
0x78: {  	_ =	shalt  }
0x79: {  	_ =	shalt  }
0x7a: {  	_ =	shalt  }
0x7b: {  	_ =	shalt  }
0x7c: {  	_ =	shalt  }
0x7d: {  	_ =	shalt  }
0x7e: {  	_ =	shalt  }
0x7f: {  	_ =	shalt  }
0x80: {  	_ =	shalt  }
0x81: {  	_ =	shalt  }
0x82: {  	_ =	shalt  }
0x83: {  	_ =	shalt  }
0x84: {  	_ =	shalt  }
0x85: {  	_ =	shalt  }
0x86: {  	_ =	shalt  }
0x87: {  	_ =	shalt  }
.Lfunc_end0:
.L_simem_size_0:
called_computation_lowered:
.L_overlay_start_0:
0x88: {  	s2 =	sld [smem:$0x3FD9]  }
0x89: {  	s3 =	sld [smem:$0x3FFE];
	_ =	sdelay $0x1  }
0x8a: {  	s1 =	srdreg.scid  }
0x8b: {  	s0 =	sand.u32 $0x1, s1  }
0x8c: {  	s16 =	sshll.u32 s0, $0xA;
	s2 =	sadd.s32 s3, s2  }
0x8d: {  	s2 =	sadd.s32 s2, s16  }
0x8e: {  	[smem:$0x3FC0] =	sst s2  }
0x8f: {  	_ = 	snop  }
0x90: {  	(tm) =	ssettm $0x1  }
0x91: {  	s17 =	sld [smem:$0x3FFB];
	_ =	sdelay $0x3  }
0x92: {  	_ =	strace s17  }
0x93: {  	s2 =	sld [smem:$0x3FFC];
	_ =	sdelay $0x3  }
0x94: {  	_ =	strace s2  }
0x95: {  	s2 =	sld [smem:$0x3FFD];
	_ =	sdelay $0x3  }
0x96: {  	_ =	strace s2  }
0x97: {  	_ =	strace $0x8FFFFFFF  }
0x98: {  	s18 =	sld [smem:$0x3FDB];
	_ =	sdelay $0x1  }
0x99: {  	s19 =	simm.s32 $_scs_section_size  }
0x9a: {  	s4 =	simm.s32 $_size__tile_overlayer_lowered;
	s5 =	simm.s32 $_tile_overlayer_lowered  }
0x9b: {  	s22 =	simm.s32 $0x1BFF;
	s21 =	sshll.u32 s5, $0x1;
	s2 =	sadd.s32 s19, s18  }
0x9c: {  	s6 =	simm.s32 $0x0;
	s20 =	sshll.u32 s4, $0x1;
	s4 =	sadd.s32 s21, s2  }
0x9d: {  	[timem:s6], [sflag:s22] =	dma.local [hbm:s4], s20  }
0x9e: {  	_ =	swait.ge [sflag:s22], s20  }
0x9f: {  	s3 =	ssub.s32 $0x0, s20;
	[sflag:s22] =	ssyncset.done $0x0  }
0xa0: {  	[sflag:s22] =	ssyncadd.s32 s3;
	_ =	sdelay $0x1  }
0xa1: {  	s23 =	simm.s32 $0x1B8B  }
0xa2: {  	_ =	swait.ge [sflag:s23], $0x1  }
0xa3: {  	[sflag:s23] =	ssyncset.done $0x0  }
0xa4: {  	s25 =	simm.s32 $0x1B8E;
	s24 =	sld [smem:$0x3FFE];
	[sflag:s23] =	ssyncadd.s32 $0xFFFFFFFF  }
0xa5: {  	s26 =	simm.s32 $execute0_lowered;
	[smem:$0x3FD2] =	sst s25  }
0xa6: {  	s4 =	sshll.u32 s26, $0x1;
	_ =	strace $0x80000046;
	[dreg:$0x1] =	wrdreg $0xFFFFFFFF  }
0xa7: {  	s28 =	simm.s32 $_size_execute0_lowered;
	s2 =	sadd.s32 s2, s4;
	[dreg:$0x0] =	wrdreg $0x0  }
0xa8: {  	s4 =	sshll.u32 s28, $0x1;
	[dreg:$0x2] =	wrdreg s2  }
0xa9: {  	[dreg:$0x3] =	wrdreg s4  }
0xaa: {  	[dreg:$0x4] =	wrdreg $0xC0  }
0xab: {  	_ =	task [dreg:s6], $0x5FFFF  }
0xac: {  	[dreg:$0x1] =	wrdreg $0xFFFFFFFF  }
0xad: {  	[dreg:$0x0] =	wrdreg $0x60  }
0xae: {  	[dreg:$0x2] =	wrdreg s24  }
0xaf: {  	[dreg:$0x3] =	wrdreg $0x9  }
0xb0: {  	_ =	task.clear_ibuf [dreg:s6], $0x4FFFF;
	_ =	strace $0x90000046  }
0xb1: {  	s29 =	simm.s32 $0x9;
	_ =	strace $0x80000048  }
0xb2: {  	_ =	swait.ge [sflag:s29], $0x1  }
0xb3: {  	[sflag:s29] =	ssyncadd.s32 $0xFFFFFFFF  }
0xb4: {  	_ =	strace $0x90000048  }
0xb5: {  	_ =	sfence  }
0xb6: {  	s30 =	sld [smem:$0x0];
	_ =	sdelay $0x2  }
0xb7: {  	s31 =	sshll.u32 s1, $0xD;
	s1 =	sshrl.u32 s1, $0x2  }
0xb8: {  	s3 =	sand.u32 $0x4000, s31;
	s1 =	sadd.s32 s1, s30  }
0xb9: {  	s0 =	sor.u32 s3, s0;
	s1 =	sshll.u32 s1, $0x11  }
0xba: {  	s0 =	sor.u32 s1, s0  }
0xbb: {  	s0 =	sadd.s32 $0x8F2B, s0  }
0xbc: {  	[sflag:s0] =	ssyncadd.remote.s32 $0x1  }
0xbd: {  	_ =	sfence.sel $0xFFFF  }
0xbe: {  	[dreg:$0x0] =	wrdreg $0xFFFFFFFF;
	(pc) =	sbr.abs _section_cstart, $3  }
0xbf: {  	[dreg:$0x1] =	wrdreg $0xFFFFFFFF  }
0xc0: {  	_ =	task.clear_ibuf [dreg:s6], $0x2FFFF;
	_ =	strace $0x9FFFFFFF  }
0xc1: {  	(tm) =	ssettm $0x7FFFFFFF  }
tec
execute0_lowered:
.L_overlay_start_1:
0x0: {  	(tag) =	ssettag $0x1  }
0x1: {  	s1 =	srdreg.scid;
	s0 =	stileid.u32  }
0x2: {  	s4 =	sand.u32 $0x1, s1;
	s2 =	sshll.u32 s0, $0x1  }
0x3: {  	s3 =	rddreg [dreg:$0x0];
	s5 =	sor.u32 s4, s2  }
0x4: {  	s7 =	simm.s32 $0x2800;
	s8 =	simm.s32 $0x0;
	s5 =	smul.u32 $0x500, s5  }
0x5: {  	s1 =	rddreg [dreg:$0x1];
	s2 =	simm.s32 $0x0;
	s4 =	ssub.s32 $0x2, s4  }
0x6: {  	[smem:$0x7FF] =	sst s2;
	s6 =	sshrl.u32 s4, $0x1;
	s5 =	sadd.s32 s5, s3  }
0x7: {  	_ =	strace $0x80000047;
	s6 =	ssub.s32 s4, s6;
	s3 =	sadd.s32 $0x2000, s5  }
0x8: {  	v0 =	vimm.f32 $0.0e+00;
	v1 =	vimm.f32 $1.000000000e+00;
	s4 =	sadd.s32 $0x16000, s5;
	s5 =	smax.u32 s6, $0x1;
	s6 =	simm.s32 $0x1  }
.LBB2_1:
0x9: {  	s9 =	simm.s32 $0x40;
	s10 =	simm.s32 $0x0  }
.LBB2_2:
0xa: {  	p0 =	sne.s32 s9, $0x9FC0;
	[tilespmem:s10+$0x2800] =	vst v0;
	s10 =	smov.u32 s9;
	s9 =	sadd.s32 $0x40, s9  }
.Ltmp0:
0xb: {  	(pc) =	sbr.rel @p0 .LBB2_2-.Ltmp0, $2  }
0xc: {  	_ =	sdelay $0x2  }
0xd: {  	s10 =	sshra.s32 s10, $0x2  }
0xe: {  	[tilespmem:s10+$0x2800] =	vst v0;
	s9 =	simm.s32 $0x0  }
0xf: {  	[tilespmem:s9], [sflag:$0x1] =	stream.linear.gather [hbm4b:s3+s9], $0x2800, $0x38;
	[tilespmem:$0x5000] =	vst v63  }
0x10: {  	_ =	swait.ge [sflag:s6], $0x2800  }
0x11: {  	[sflag:s6] =	ssyncset.done $0x0  }
0x12: {  	s10 =	simm.s32 $0x0;
	s9 =	simm.s32 $0x40;
	[sflag:s6] =	ssyncadd.s32 $0xFFFFD800  }
.LBB2_4:
0x13: {  	p0 =	sne.s32 s9, $0x9FC0;
	v2 =	vld [tilespmem:s10+$0x0];
	_ =	sdelay $0x3  }
.Ltmp1:
0x14: {  	(pc) =	sbr.rel @p0 .LBB2_4-.Ltmp1, $2  }
0x15: {  	_ =	sdelay $0x2  }
0x16: {  	s10 =	sshra.s32 s9, $0x2;
	s9 =	sadd.s32 $0x40, s9;
	[tilespmem:v2+s7+$0x0] =	vst.idx.add.f32.msk $0xffff, v1  }
0x17: {  	v2 =	vld [tilespmem:s10+$0x0];
	_ =	sdelay $0x5  }
0x18: {  	s8 =	sadd.s32 $0x1, s8  }
0x19: {  	p0 =	sne.s32 s8, s5  }
.Ltmp2:
0x1a: {  	[tilespmem:v2+s7+$0x0] =	vst.idx.add.f32.msk $0xffff, v1;
	(pc) =	sbr.rel @p0 .LBB2_1-.Ltmp2, $4  }
0x1b: {  	[hbm4b:s4+s2] =	stream.linear.scatter [tilespmem:s7], [sflag:$0x1], $0x2800, $0x38;
	[tilespmem:$0x5000] =	vst v63  }
0x1c: {  	_ =	swait.ge [sflag:s6], $0x2800  }
0x1d: {  	[sflag:s6] =	ssyncset.done $0x0  }
0x1e: {  	[sflag:s6] =	ssyncadd.s32 $0xFFFFD800  }
0x1f: {  	_ =	sfence.sel $0x180000  }
0x20: {  	[bflag:$0x0] =	sbarrier.arrive $0xFFFF  }
0x21: {  	p0 =	sne.s32 s0, $0x0;
	_ =	strace $0x90000047  }
0x22: {  	s0 =	sadd.s32 @!p0 $0x100000, s1;
	[bflag:$0x2] =	sbarrier.arrive $0xFFFF  }
0x23: {  	[sflag:s0] =	ssyncadd.tile.s32 @!p0 $0x1;
	_ =	shalt  }
.Lfunc_end2:
_tile_overlayer_lowered:
.L_overlay_start_2:
0x24: {  	(tag) =	ssettag $0x2  }
0x25: {  	s0 =	rddreg [dreg:$0x0];
	s2 =	stileid.u32  }
0x26: {  	s1 =	rddreg [dreg:$0x1];
	p0 =	sne.s32 s2, $0x0  }
0x27: {  	s3 =	rddreg [dreg:$0x2];
	[bflag:$0x3] =	sbarrier.arrive $0xFFFF;
	s2 =	simm.s32 @!p0 $0x1C01  }
0x28: {  	[timem:s3], [sflag:s2] =	dma.local @!p0 [hbm:s0], s1  }
0x29: {  	s0 =	simm.s32 @!p0 $0x1  }
0x2a: {  	_ =	swait.ge @!p0 [sflag:s0], s1  }
0x2b: {  	s1 =	ssub.s32 @!p0 $0x0, s1;
	[sflag:s0] =	ssyncset.done @!p0 $0x0  }
0x2c: {  	[sflag:s0] =	ssyncadd.s32 @!p0 s1  }
0x2d: {  	[bflag:$0x3] =	sbarrier.arrive $0xFFFF  }
0x2e: {  	_ =	shalt  }

// kernel: kernel.9.cloned.1.call-start
scs
__scs_entry_jumppad:
0x0: {  	(pc) =	sbr.rel $0x88, $3  }
0x1: {  	(tag) =	ssettag $0x0;
	lr =	simm.s32 $0x1  }
0x2: {  	[smem:$0x3F99] =	sst lr;
	_ =	strace $0xD0000000  }
0x3: {  	_ = 	snop  }
0x4: {  	_ = 	snop  }
0x5: {  	_ = 	snop  }
0x6: {  	_ = 	snop  }
0x7: {  	_ = 	snop  }
__scs_overlays_trampoline_lowered:
0x8: {  	[smem:$0x3FA8] =	sst s0  }
0x9: {  	[smem:$0x3FA9] =	sst s1  }
0xa: {  	[smem:$0x3FAA] =	sst s2  }
0xb: {  	[smem:$0x3FAB] =	sst s3  }
0xc: {  	[smem:$0x3FAC] =	sst s4  }
0xd: {  	[smem:$0x3FAD] =	sst s5  }
0xe: {  	[smem:$0x3FAE] =	sst s6  }
0xf: {  	[smem:$0x3FAF] =	sst s7  }
0x10: {  	[smem:$0x3FB0] =	sst s8  }
0x11: {  	[smem:$0x3FB1] =	sst s9;
	s0 =	simm.s32 @!p0 $0x0  }
0x12: {  	s1 =	sld [smem:$0x3F97];
	s0 =	simm.s32 @p0 $0x1  }
0x13: {  	[smem:$0x3FB2] =	sst s0;
	s0 =	simm.s32 @!p1 $0x0  }
0x14: {  	s2 =	sld [smem:$0x3F96];
	s0 =	simm.s32 @p1 $0x1  }
0x15: {  	[smem:$0x3FB3] =	sst s0;
	s0 =	simm.s32 @!p2 $0x0  }
0x16: {  	s3 =	sld [smem:$0x3FDB];
	s0 =	simm.s32 @p2 $0x1  }
0x17: {  	s4 =	simm.s32 $0x1BF5;
	[smem:$0x3FB5] =	sst s0  }
0x18: {  	s0 =	sld [smem:$0x3F98];
	_ =	swait.ge [sflag:s4], $0x0  }
0x19: {  	s7 =	sld [smem:$0x3F99]  }
0x1a: {  	s8 =	sadd.s32 $0xFFFFE003, lr  }
0x1b: {  	s9 =	sadd.s32 $0xFFFFFEF7, lr;
	s5 =	simm.s32 $0xFFFFFFFF;
	p2 =	slt.u32 s8, $0xFFFFF086  }
0x1c: {  	p1 =	slt.u32 s9, $0xF7A;
	s5 =	simm.s32 @!p2 $0x0  }
0x1d: {  	s5 =	simm.s32 @p1 $0x1;
	p0 =	seq.s32 s7, s2  }
0x1e: {  	s7 =	smul.u32 @!p0 $0xF7A, s2;
	p2 =	seq.s32 @!p0 s5, $0x0  }
0x1f: {  	s9 =	smul.u32 $0xF7A, s1;
	s8 =	simm.s32 @!p0 $0x1BF5;
	p2 =	por !p2, p0  }
0x20: {  	[sflag:s8] =	ssyncset.s32 @!p0 $0xFFFFF086;
	s6 =	sadd.s32 @!p0 s3, s7;
	s7 =	simm.s32 @!p0 $0x108  }
0x21: {  	s3 =	sadd.s32 s3, s9;
	s6 =	sadd.s32 @!p0 $0x88, s6;
	s7 =	simm.s32 @p2 $0x1082  }
0x22: {  	[simem:s7], [sflag:s8] =	dma.local @!p0 [hbm:s6], $0xF7A  }
0x23: {  	s9 =	sor.u32 $0xD0000000, s2;
	s6 =	simm.s32 $0x108;
	_ =	swait.ge @!p0 [sflag:s8], $0x0  }
0x24: {  	s3 =	sadd.s32 $0x88, s3;
	s6 =	simm.s32 @!p1 $0x1082;
	[sflag:s4] =	ssyncset.s32 $0xFFFFF086  }
0x25: {  	[simem:s6], [sflag:s4] =	dma.local [hbm:s3], $0xF7A  }
0x26: {  	[smem:$0x3F99] =	sst s1;
	(tag) =	ssettag s2;
	_ =	strace s9  }
0x27: {  	s1 =	sld [smem:$0x3FA9]  }
0x28: {  	s2 =	sld [smem:$0x3FAA]  }
0x29: {  	s4 =	sld [smem:$0x3FAC]  }
0x2a: {  	p0 =	seq.s32 s5, $0x0;
	s5 =	sld [smem:$0x3FAD]  }
0x2b: {  	s6 =	sld [smem:$0x3FAE]  }
0x2c: {  	s7 =	sld [smem:$0x3FAF]  }
0x2d: {  	s3 =	simm.s32 $0x108;
	s8 =	sld [smem:$0x3FB0]  }
0x2e: {  	s3 =	simm.s32 @!p0 $0x1082;
	s9 =	sld [smem:$0x3FB1]  }
0x2f: {  	lr =	sadd.s32 s0, s3;
	s0 =	sld [smem:$0x3FA8]  }
0x30: {  	s3 =	sld [smem:$0x3FAB]  }
0x31: {  	[smem:$0x3FB4] =	sst s10  }
0x32: {  	s10 =	sld [smem:$0x3FB2];
	_ =	sdelay $0x3  }
0x33: {  	p0 =	seq.s32 s10, $0x1;
	s10 =	sld [smem:$0x3FB4];
	_ =	sdelay $0x3  }
0x34: {  	[smem:$0x3FB4] =	sst s10  }
0x35: {  	s10 =	sld [smem:$0x3FB3];
	_ =	sdelay $0x3  }
0x36: {  	p1 =	seq.s32 s10, $0x1;
	s10 =	sld [smem:$0x3FB4];
	_ =	sdelay $0x3  }
0x37: {  	[smem:$0x3FB4] =	sst s10  }
0x38: {  	s10 =	sld [smem:$0x3FB5]  }
0x39: {  	_ = 	snop;
	(pc) =	sbr.ind lr, $3  }
0x3a: {  	_ = 	snop  }
0x3b: {  	_ = 	snop  }
0x3c: {  	p2 =	seq.s32 s10, $0x1;
	s10 =	sld [smem:$0x3FB4]  }
0x3d: {  	_ =	shalt  }
0x3e: {  	_ =	shalt  }
0x3f: {  	_ =	shalt  }
0x40: {  	_ =	shalt  }
0x41: {  	_ =	shalt  }
0x42: {  	_ =	shalt  }
0x43: {  	_ =	shalt  }
0x44: {  	_ =	shalt  }
0x45: {  	_ =	shalt  }
0x46: {  	_ =	shalt  }
0x47: {  	_ =	shalt  }
0x48: {  	_ =	shalt  }
0x49: {  	_ =	shalt  }
0x4a: {  	_ =	shalt  }
0x4b: {  	_ =	shalt  }
0x4c: {  	_ =	shalt  }
0x4d: {  	_ =	shalt  }
0x4e: {  	_ =	shalt  }
0x4f: {  	_ =	shalt  }
0x50: {  	_ =	shalt  }
0x51: {  	_ =	shalt  }
0x52: {  	_ =	shalt  }
0x53: {  	_ =	shalt  }
0x54: {  	_ =	shalt  }
0x55: {  	_ =	shalt  }
0x56: {  	_ =	shalt  }
0x57: {  	_ =	shalt  }
0x58: {  	_ =	shalt  }
0x59: {  	_ =	shalt  }
0x5a: {  	_ =	shalt  }
0x5b: {  	_ =	shalt  }
0x5c: {  	_ =	shalt  }
0x5d: {  	_ =	shalt  }
0x5e: {  	_ =	shalt  }
0x5f: {  	_ =	shalt  }
0x60: {  	_ =	shalt  }
0x61: {  	_ =	shalt  }
0x62: {  	_ =	shalt  }
0x63: {  	_ =	shalt  }
0x64: {  	_ =	shalt  }
0x65: {  	_ =	shalt  }
0x66: {  	_ =	shalt  }
0x67: {  	_ =	shalt  }
0x68: {  	_ =	shalt  }
0x69: {  	_ =	shalt  }
0x6a: {  	_ =	shalt  }
0x6b: {  	_ =	shalt  }
0x6c: {  	_ =	shalt  }
0x6d: {  	_ =	shalt  }
0x6e: {  	_ =	shalt  }
0x6f: {  	_ =	shalt  }
0x70: {  	_ =	shalt  }
0x71: {  	_ =	shalt  }
0x72: {  	_ =	shalt  }
0x73: {  	_ =	shalt  }
0x74: {  	_ =	shalt  }
0x75: {  	_ =	shalt  }
0x76: {  	_ =	shalt  }
0x77: {  	_ =	shalt  }
0x78: {  	_ =	shalt  }
0x79: {  	_ =	shalt  }
0x7a: {  	_ =	shalt  }
0x7b: {  	_ =	shalt  }
0x7c: {  	_ =	shalt  }
0x7d: {  	_ =	shalt  }
0x7e: {  	_ =	shalt  }
0x7f: {  	_ =	shalt  }
0x80: {  	_ =	shalt  }
0x81: {  	_ =	shalt  }
0x82: {  	_ =	shalt  }
0x83: {  	_ =	shalt  }
0x84: {  	_ =	shalt  }
0x85: {  	_ =	shalt  }
0x86: {  	_ =	shalt  }
0x87: {  	_ =	shalt  }
.Lfunc_end0:
.L_simem_size_0:
called_computation.1_lowered:
.L_overlay_start_0:
0x88: {  	s2 =	sld [smem:$0x3FD9]  }
0x89: {  	s3 =	sld [smem:$0x3FFE];
	_ =	sdelay $0x1  }
0x8a: {  	s1 =	srdreg.scid  }
0x8b: {  	s0 =	sand.u32 $0x1, s1  }
0x8c: {  	s16 =	sshll.u32 s0, $0xA;
	s2 =	sadd.s32 s3, s2  }
0x8d: {  	s2 =	sadd.s32 s2, s16  }
0x8e: {  	[smem:$0x3FC0] =	sst s2  }
0x8f: {  	_ = 	snop  }
0x90: {  	(tm) =	ssettm $0x1  }
0x91: {  	s17 =	sld [smem:$0x3FFB];
	_ =	sdelay $0x3  }
0x92: {  	_ =	strace s17  }
0x93: {  	s2 =	sld [smem:$0x3FFC];
	_ =	sdelay $0x3  }
0x94: {  	_ =	strace s2  }
0x95: {  	s2 =	sld [smem:$0x3FFD];
	_ =	sdelay $0x3  }
0x96: {  	_ =	strace s2  }
0x97: {  	_ =	strace $0x8FFFFFFF  }
0x98: {  	s18 =	sld [smem:$0x3FDB];
	_ =	sdelay $0x1  }
0x99: {  	s19 =	simm.s32 $_scs_section_size  }
0x9a: {  	s4 =	simm.s32 $_size__tile_overlayer_lowered;
	s5 =	simm.s32 $_tile_overlayer_lowered  }
0x9b: {  	s22 =	simm.s32 $0x1BFF;
	s21 =	sshll.u32 s5, $0x1;
	s2 =	sadd.s32 s19, s18  }
0x9c: {  	s6 =	simm.s32 $0x0;
	s20 =	sshll.u32 s4, $0x1;
	s4 =	sadd.s32 s21, s2  }
0x9d: {  	[timem:s6], [sflag:s22] =	dma.local [hbm:s4], s20  }
0x9e: {  	_ =	swait.ge [sflag:s22], s20  }
0x9f: {  	s3 =	ssub.s32 $0x0, s20;
	[sflag:s22] =	ssyncset.done $0x0  }
0xa0: {  	[sflag:s22] =	ssyncadd.s32 s3;
	_ =	sdelay $0x1  }
0xa1: {  	s23 =	simm.s32 $0x1B8B  }
0xa2: {  	_ =	swait.ge [sflag:s23], $0x1  }
0xa3: {  	[sflag:s23] =	ssyncset.done $0x0  }
0xa4: {  	s25 =	simm.s32 $0x1B8E;
	s24 =	sld [smem:$0x3FFE];
	[sflag:s23] =	ssyncadd.s32 $0xFFFFFFFF  }
0xa5: {  	s26 =	simm.s32 $execute0_lowered;
	[smem:$0x3FD2] =	sst s25  }
0xa6: {  	s4 =	sshll.u32 s26, $0x1;
	_ =	strace $0x80000049;
	[dreg:$0x1] =	wrdreg $0xFFFFFFFF  }
0xa7: {  	s28 =	simm.s32 $_size_execute0_lowered;
	s2 =	sadd.s32 s2, s4;
	[dreg:$0x0] =	wrdreg $0x0  }
0xa8: {  	s4 =	sshll.u32 s28, $0x1;
	[dreg:$0x2] =	wrdreg s2  }
0xa9: {  	[dreg:$0x3] =	wrdreg s4  }
0xaa: {  	[dreg:$0x4] =	wrdreg $0xC0  }
0xab: {  	_ =	task [dreg:s6], $0x5FFFF  }
0xac: {  	[dreg:$0x1] =	wrdreg $0xFFFFFFFF  }
0xad: {  	[dreg:$0x0] =	wrdreg $0x60  }
0xae: {  	[dreg:$0x2] =	wrdreg s24  }
0xaf: {  	[dreg:$0x3] =	wrdreg $0x120000  }
0xb0: {  	[dreg:$0x4] =	wrdreg $0x9  }
0xb1: {  	_ =	task.clear_ibuf [dreg:s6], $0x5FFFF;
	_ =	strace $0x90000049  }
0xb2: {  	s29 =	simm.s32 $0x9;
	_ =	strace $0x8000004B  }
0xb3: {  	_ =	swait.ge [sflag:s29], $0x1  }
0xb4: {  	[sflag:s29] =	ssyncadd.s32 $0xFFFFFFFF  }
0xb5: {  	_ =	strace $0x9000004B  }
0xb6: {  	_ =	sfence  }
0xb7: {  	s30 =	sld [smem:$0x0];
	_ =	sdelay $0x2  }
0xb8: {  	s31 =	sshll.u32 s1, $0xD;
	s1 =	sshrl.u32 s1, $0x2  }
0xb9: {  	s3 =	sand.u32 $0x4000, s31;
	s1 =	sadd.s32 s1, s30  }
0xba: {  	s0 =	sor.u32 s3, s0;
	s1 =	sshll.u32 s1, $0x11  }
0xbb: {  	s0 =	sor.u32 s1, s0  }
0xbc: {  	s0 =	sadd.s32 $0x8F2B, s0  }
0xbd: {  	[sflag:s0] =	ssyncadd.remote.s32 $0x1  }
0xbe: {  	_ =	sfence.sel $0xFFFF  }
0xbf: {  	[dreg:$0x0] =	wrdreg $0xFFFFFFFF;
	(pc) =	sbr.abs _section_cstart, $3  }
0xc0: {  	[dreg:$0x1] =	wrdreg $0xFFFFFFFF  }
0xc1: {  	_ =	task.clear_ibuf [dreg:s6], $0x2FFFF;
	_ =	strace $0x9FFFFFFF  }
0xc2: {  	(tm) =	ssettm $0x7FFFFFFF  }
0xc3: {  	_ =	shalt  }
tec
execute0_lowered:
.L_overlay_start_1:
0x0: {  	(tag) =	ssettag $0x1  }
0x1: {  	s0 =	rddreg [dreg:$0x0]  }
0x2: {  	s2 =	rddreg [dreg:$0x1]  }
0x3: {  	s1 =	srdreg.scid;
	s10 =	stileid.u32  }
0x4: {  	s3 =	simm.s32 $0x0;
	s28 =	simm.s32 $0xD000;
	s30 =	simm.s32 $0x80  }
0x5: {  	s31 =	simm.s32 $0x7000;
	s29 =	simm.s32 $0x1;
	s1 =	sand.u32 $0x1, s1  }
0x6: {  	s4 =	sshll.u32 s10, $0x1;
	[smem:$0x7FF] =	sst s3;
	s7 =	smul.u32 $0x28000, s10  }
0x7: {  	s8 =	sadd.s32 $0x16000, s0;
	s26 =	smul.u32 $0xA000, s10;
	s4 =	sor.u32 s1, s4  }
0x8: {  	_ =	strace $0x8000004A;
	s6 =	ssub.s32 $0x2, s1;
	s11 =	smul.u32 $0xA0000, s1  }
0x9: {  	[dreg:$0x3] =	wrdreg s8;
	s8 =	sadd.s32 $0x2A600, s0;
	s5 =	smul.u32 $0x500, s4  }
0xa: {  	s4 =	sadd.s32 $0x16600, s0;
	s9 =	sshrl.u32 s6, $0x1;
	s24 =	sshrl.u32 s7, $0x2  }
0xb: {  	s12 =	sadd.s32 s26, s2;
	s17 =	sadd.s32 $0x2000, s26;
	s22 =	sadd.s32 $0x4000, s26  }
0xc: {  	s7 =	sadd.s32 $0x8000, s26;
	s23 =	ssub.s32 s6, s9;
	s6 =	sadd.s32 s24, s2  }
0xd: {  	[dreg:$0x7] =	wrdreg s12;
	s16 =	sadd.s32 s11, s26;
	s13 =	smax.u32 s23, $0x1  }
0xe: {  	s19 =	sadd.s32 s11, s17;
	s14 =	sadd.s32 $0x2000, s6;
	[dreg:$0x8] =	wrdreg s13  }
0xf: {  	s24 =	sadd.s32 $0x6000, s26;
	s15 =	sadd.s32 $0x4000, s6;
	[dreg:$0x9] =	wrdreg s14  }
0x10: {  	s9 =	simm.s32 $0x4;
	s18 =	sadd.s32 $0x6000, s6;
	[dreg:$0xa] =	wrdreg s15  }
0x11: {  	s12 =	simm.s32 $0x7;
	s20 =	sadd.s32 $0x8000, s6;
	[dreg:$0xb] =	wrdreg s18  }
0x12: {  	s0 =	sadd.s32 s5, s0;
	s5 =	sadd.s32 s17, s2;
	[dreg:$0xc] =	wrdreg s20  }
0x13: {  	s1 =	sshrl.u32 s16, $0x3;
	s23 =	sadd.s32 s22, s2;
	[dreg:$0xe] =	wrdreg s5  }
0x14: {  	s21 =	sshrl.u32 s19, $0x3;
	s25 =	sadd.s32 $0xC000, s0;
	[dreg:$0x10] =	wrdreg s23  }
0x15: {  	s10 =	sadd.s32 $0x2000, s0;
	s0 =	sadd.s32 $0x52600, s0;
	[dreg:$0x4] =	wrdreg s25  }
0x16: {  	s1 =	sadd.s32 s8, s1;
	s23 =	sadd.s32 s7, s2;
	[dreg:$0x5] =	wrdreg s10  }
0x17: {  	s5 =	simm.s32 $0xB000;
	s13 =	simm.s32 $0x8;
	[dreg:$0x6] =	wrdreg s0  }
0x18: {  	s14 =	simm.s32 $0x0;
	[dreg:$0xd] =	wrdreg s1;
	s1 =	sadd.s32 s8, s21  }
0x19: {  	s25 =	sadd.s32 s11, s24;
	s0 =	sadd.s32 s11, s7;
	s21 =	sadd.s32 s24, s2  }
0x1a: {  	s7 =	simm.s32 $0x2;
	s10 =	simm.s32 $0x5;
	[dreg:$0xf] =	wrdreg s1  }
.Ltmp0:
0x1b: {  	s1 =	sadd.s32 s11, s22;
	s26 =	sshrl.u32 s25, $0x3;
	(pc) =	sbr.rel .LBB2_1-.Ltmp0, $4  }
0x1c: {  	s0 =	sshrl.u32 s0, $0x3;
	s25 =	simm.s32 $0x5000;
	s11 =	simm.s32 $0x6  }
0x1d: {  	s1 =	sshrl.u32 s1, $0x3;
	s22 =	sadd.s32 s8, s26;
	s24 =	sadd.s32 s8, s0  }
0x1e: {  	s26 =	simm.s32 $0x9;
	s0 =	simm.s32 $0xF800;
	s1 =	sadd.s32 s8, s1  }
0x1f: {  	v0 =	vimm.f32 $0.0e+00;
	s8 =	simm.s32 $0x3;
	[dreg:$0x11] =	wrdreg s1;
	s1 =	simm.s32 $0x9000  }
.LBB2_8:
0x20: {  	_ =	swait.ge [sflag:s10], $0x2000  }
0x21: {  	[sflag:s10] =	ssyncset.done $0x0  }
0x22: {  	[sflag:s10] =	ssyncadd.s32 $0xFFFFE000  }
0x23: {  	_ =	swait.ge [sflag:s11], $0x2000  }
0x24: {  	[sflag:s11] =	ssyncset.done $0x0  }
0x25: {  	[sflag:s11] =	ssyncadd.s32 $0xFFFFE000  }
0x26: {  	_ =	swait.ge [sflag:s12], $0x2000  }
0x27: {  	[sflag:s12] =	ssyncset.done $0x0  }
0x28: {  	[sflag:s12] =	ssyncadd.s32 $0xFFFFE000  }
0x29: {  	_ =	swait.ge [sflag:s13], $0x2000  }
0x2a: {  	[sflag:s13] =	ssyncset.done $0x0  }
0x2b: {  	s15 =	rddreg [dreg:$0x6];
	[sflag:s13] =	ssyncadd.s32 $0xFFFFE000  }
0x2c: {  	[hbm4b:s15+s3] =	stream.linear.scatter [tilespmem:s0], [sflag:$0x9], $0x2800, $0x38;
	[tilespmem:$0x1C000] =	vst v63  }
0x2d: {  	_ =	swait.ge [sflag:s26], $0x2800  }
0x2e: {  	[sflag:s26] =	ssyncset.done $0x0  }
0x2f: {  	[sflag:s26] =	ssyncadd.s32 $0xFFFFD800  }
0x30: {  	[bflag:$0x0] =	sbarrier.arrive $0xFFFF  }
0x31: {  	s19 =	rddreg [dreg:$0x7]  }
0x32: {  	[tilespmem:s25], [sflag:$0x9] =	stream.linear.gather [spmem:s19], $0x2000, $0x38;
	[tilespmem:$0x1C000] =	vst v63  }
0x33: {  	_ =	swait.ge [sflag:s26], $0x2000  }
0x34: {  	[sflag:s26] =	ssyncset.done $0x0  }
0x35: {  	s20 =	rddreg [dreg:$0xd];
	[sflag:s26] =	ssyncadd.s32 $0xFFFFE000  }
0x36: {  	[hbm4b:s20+s3] =	stream.linear.scatter [tilespmem:s25], [sflag:$0x9], $0x2000, $0x38;
	[tilespmem:$0x1C000] =	vst v63  }
0x37: {  	_ =	swait.ge [sflag:s26], $0x2000  }
0x38: {  	[sflag:s26] =	ssyncset.done $0x0  }
0x39: {  	s16 =	rddreg [dreg:$0xe];
	[sflag:s26] =	ssyncadd.s32 $0xFFFFE000  }
0x3a: {  	[tilespmem:s25], [sflag:$0x9] =	stream.linear.gather [spmem:s16], $0x2000, $0x38;
	[tilespmem:$0x1C000] =	vst v63  }
0x3b: {  	_ =	swait.ge [sflag:s26], $0x2000  }
0x3c: {  	[sflag:s26] =	ssyncset.done $0x0  }
0x3d: {  	s17 =	rddreg [dreg:$0xf];
	[sflag:s26] =	ssyncadd.s32 $0xFFFFE000  }
0x3e: {  	[hbm4b:s17+s3] =	stream.linear.scatter [tilespmem:s25], [sflag:$0x9], $0x2000, $0x38;
	[tilespmem:$0x1C000] =	vst v63  }
0x3f: {  	_ =	swait.ge [sflag:s26], $0x2000  }
0x40: {  	[sflag:s26] =	ssyncset.done $0x0  }
0x41: {  	s18 =	rddreg [dreg:$0x10];
	[sflag:s26] =	ssyncadd.s32 $0xFFFFE000  }
0x42: {  	[tilespmem:s25], [sflag:$0x9] =	stream.linear.gather [spmem:s18], $0x2000, $0x38;
	[tilespmem:$0x1C000] =	vst v63  }
0x43: {  	_ =	swait.ge [sflag:s26], $0x2000  }
0x44: {  	[sflag:s26] =	ssyncset.done $0x0  }
0x45: {  	s19 =	rddreg [dreg:$0x11];
	[sflag:s26] =	ssyncadd.s32 $0xFFFFE000  }
0x46: {  	[hbm4b:s19+s3] =	stream.linear.scatter [tilespmem:s25], [sflag:$0x9], $0x2000, $0x38;
	[tilespmem:$0x1C000] =	vst v63  }
0x47: {  	_ =	swait.ge [sflag:s26], $0x2000  }
0x48: {  	[sflag:s26] =	ssyncset.done $0x0  }
0x49: {  	[sflag:s26] =	ssyncadd.s32 $0xFFFFE000  }
0x4a: {  	[tilespmem:s25], [sflag:$0x9] =	stream.linear.gather [spmem:s21], $0x2000, $0x38;
	[tilespmem:$0x1C000] =	vst v63  }
0x4b: {  	_ =	swait.ge [sflag:s26], $0x2000  }
0x4c: {  	[sflag:s26] =	ssyncset.done $0x0  }
0x4d: {  	[sflag:s26] =	ssyncadd.s32 $0xFFFFE000  }
0x4e: {  	[hbm4b:s22+s3] =	stream.linear.scatter [tilespmem:s25], [sflag:$0x9], $0x2000, $0x38;
	[tilespmem:$0x1C000] =	vst v63  }
0x4f: {  	_ =	swait.ge [sflag:s26], $0x2000  }
0x50: {  	[sflag:s26] =	ssyncset.done $0x0  }
0x51: {  	[sflag:s26] =	ssyncadd.s32 $0xFFFFE000  }
0x52: {  	[tilespmem:s25], [sflag:$0x9] =	stream.linear.gather [spmem:s23], $0x2000, $0x38;
	[tilespmem:$0x1C000] =	vst v63  }
0x53: {  	_ =	swait.ge [sflag:s26], $0x2000  }
0x54: {  	[sflag:s26] =	ssyncset.done $0x0  }
0x55: {  	[sflag:s26] =	ssyncadd.s32 $0xFFFFE000  }
0x56: {  	[hbm4b:s24+s3] =	stream.linear.scatter [tilespmem:s25], [sflag:$0x9], $0x2000, $0x38;
	[tilespmem:$0x1C000] =	vst v63  }
0x57: {  	_ =	swait.ge [sflag:s26], $0x2000  }
0x58: {  	s14 =	sadd.s32 $0x1, s14;
	s20 =	rddreg [dreg:$0x8]  }
0x59: {  	p0 =	sne.s32 s14, s20  }
.Ltmp1:
0x5a: {  	_ = 	snop;
	(pc) =	sbr.rel @!p0 .LBB2_9-.Ltmp1, $3  }
0x5b: {  	_ =	sdelay $0x1  }
0x5c: {  	[sflag:s26] =	ssyncset.done $0x0  }
0x5d: {  	[sflag:s26] =	ssyncadd.s32 $0xFFFFE000  }
.LBB2_1:
0x5e: {  	s15 =	sand.u32 $0x7F00, s3  }
0x5f: {  	s16 =	sand.u32 $0x30, s3;
	s17 =	sshrl.u32 s15, $0x2  }
0x60: {  	s15 =	simm.s32 $0x40;
	s17 =	sor.u32 s16, s17;
	s16 =	simm.s32 $0x0  }
.LBB2_2:
0x61: {  	p0 =	sne.s32 s15, $0x7FC0  }
0x62: {  	[tilespmem:s17+$0x5000] =	vst v0;
	s16 =	sadd.s32 $0x10, s16;
	s17 =	smov.u32 s15;
	s15 =	sadd.s32 $0x40, s15  }
.Ltmp2:
0x63: {  	(pc) =	sbr.rel @p0 .LBB2_2-.Ltmp2, $4  }
0x64: {  	_ = 	snop  }
0x65: {  	s17 =	sand.u32 $0x7F00, s17  }
0x66: {  	s18 =	sand.u32 $0x30, s16;
	s17 =	sshrl.u32 s17, $0x2  }
0x67: {  	s17 =	sor.u32 s18, s17  }
0x68: {  	[tilespmem:s17+$0x5000] =	vst v0  }
0x69: {  	[spmem:s6] =	stream.linear.scatter [tilespmem:s25], [sflag:$0x9], $0x2000, $0x38;
	[tilespmem:$0x1C000] =	vst v63  }
0x6a: {  	_ =	swait.ge [sflag:s26], $0x2000  }
0x6b: {  	[sflag:s26] =	ssyncset.done $0x0  }
0x6c: {  	s15 =	rddreg [dreg:$0x9];
	[sflag:s26] =	ssyncadd.s32 $0xFFFFE000  }
0x6d: {  	[spmem:s15] =	stream.linear.scatter [tilespmem:s25], [sflag:$0x9], $0x2000, $0x38;
	[tilespmem:$0x1C000] =	vst v63  }
0x6e: {  	_ =	swait.ge [sflag:s26], $0x2000  }
0x6f: {  	[sflag:s26] =	ssyncset.done $0x0  }
0x70: {  	s18 =	rddreg [dreg:$0xa];
	[sflag:s26] =	ssyncadd.s32 $0xFFFFE000  }
0x71: {  	[spmem:s18] =	stream.linear.scatter [tilespmem:s25], [sflag:$0x9], $0x2000, $0x38;
	[tilespmem:$0x1C000] =	vst v63  }
0x72: {  	_ =	swait.ge [sflag:s26], $0x2000  }
0x73: {  	[sflag:s26] =	ssyncset.done $0x0  }
0x74: {  	s19 =	rddreg [dreg:$0xb];
	[sflag:s26] =	ssyncadd.s32 $0xFFFFE000  }
0x75: {  	[spmem:s19] =	stream.linear.scatter [tilespmem:s25], [sflag:$0x9], $0x2000, $0x38;
	[tilespmem:$0x1C000] =	vst v63  }
0x76: {  	_ =	swait.ge [sflag:s26], $0x2000  }
0x77: {  	[sflag:s26] =	ssyncset.done $0x0  }
0x78: {  	s20 =	rddreg [dreg:$0xc];
	[sflag:s26] =	ssyncadd.s32 $0xFFFFE000  }
0x79: {  	[spmem:s20] =	stream.linear.scatter [tilespmem:s25], [sflag:$0x9], $0x2000, $0x38;
	[tilespmem:$0x1C000] =	vst v63  }
0x7a: {  	_ =	swait.ge [sflag:s26], $0x2000  }
0x7b: {  	[sflag:s26] =	ssyncset.done $0x0  }
0x7c: {  	s16 =	simm.s32 $0x0;
	s15 =	simm.s32 $0x40;
	[sflag:s26] =	ssyncadd.s32 $0xFFFFE000  }
.LBB2_4:
0x7d: {  	p0 =	sne.s32 s15, $0x9FC0;
	[tilespmem:s16+$0xF800] =	vst v0;
	s16 =	smov.u32 s15;
	s15 =	sadd.s32 $0x40, s15  }
.Ltmp3:
0x7e: {  	(pc) =	sbr.rel @p0 .LBB2_4-.Ltmp3, $2  }
0x7f: {  	_ =	sdelay $0x2  }
0x80: {  	s16 =	sshra.s32 s16, $0x2  }
0x81: {  	[tilespmem:s16+$0xF800] =	vst v0;
	s15 =	simm.s32 $0x0;
	s17 =	rddreg [dreg:$0x3]  }
0x82: {  	[tilespmem:s28], [sflag:$0x9] =	stream.linear.gather [hbm4b:s17+s15], $0x2800, $0x38;
	[tilespmem:$0x1C000] =	vst v63  }
0x83: {  	_ =	swait.ge [sflag:s26], $0x2800  }
0x84: {  	[sflag:s26] =	ssyncset.done $0x0  }
0x85: {  	s18 =	rddreg [dreg:$0x4];
	[sflag:s26] =	ssyncadd.s32 $0xFFFFD800  }
0x86: {  	[tilespmem:s15], [sflag:$0x9] =	stream.linear.gather [hbm4b:s18+s15], $0x2800, $0x38;
	[tilespmem:$0x1C000] =	vst v63  }
0x87: {  	_ =	swait.ge [sflag:s26], $0x2800  }
0x88: {  	[sflag:s26] =	ssyncset.done $0x0  }
0x89: {  	s17 =	simm.s32 $0x2800;
	s19 =	rddreg [dreg:$0x5];
	[sflag:s26] =	ssyncadd.s32 $0xFFFFD800  }
0x8a: {  	[tilespmem:s17], [sflag:$0x9] =	stream.linear.gather [hbm4b:s19+s15], $0x2800, $0x38;
	[tilespmem:$0x1C000] =	vst v63  }
0x8b: {  	_ =	swait.ge [sflag:s26], $0x2800  }
0x8c: {  	[sflag:s26] =	ssyncset.done $0x0  }
0x8d: {  	[sflag:s26] =	ssyncadd.s32 $0xFFFFD800  }
0x8e: {  	[bflag:$0x0] =	sbarrier.arrive $0xFFFF  }
0x8f: {  	[tilespmem:s25], [sflag:$0x1] =	stream.indirect.gather [hbm4b:s4+s30], $0x40, s15, s30, $0xb8;
	[tilespmem:$0x1C000] =	vst v63  }
0x90: {  	_ = 	snop  }
0x91: {  	[tilespmem:s31], [sflag:$0x2] =	stream.indirect.gather [hbm4b:s4+s30], $0x40, s30, s30, $0xb8;
	[tilespmem:$0x1C000] =	vst v63  }
0x92: {  	s20 =	simm.s32 $0x100  }
0x93: {  	[tilespmem:s1], [sflag:$0x3] =	stream.indirect.gather [hbm4b:s4+s30], $0x40, s20, s30, $0xb8;
	[tilespmem:$0x1C000] =	vst v63  }
.LBB2_6:
0x94: {  	_ =	swait.ge [sflag:s29], $0x2000  }
0x95: {  	s16 =	sshra.s32 s15, $0x2;
	[sflag:s29] =	ssyncset.done $0x0  }
0x96: {  	s17 =	sadd.s32 $0x2800, s16;
	[sflag:s29] =	ssyncadd.s32 $0xFFFFE000  }
0x97: {  	[spmem:s2] =	stream.indirect.scatter.add.f32 [tilespmem:s25], [sflag:$0x5], $0x40, s17, s30, $0xb8;
	[tilespmem:$0x1C000] =	vst v63  }
0x98: {  	v1 =	vld [tilespmem:s16+$0x2800];
	_ =	sdelay $0x4  }
0x99: {  	v2 =	vld [tilespmem:s16+$0x0];
	_ =	sdelay $0x2  }
0x9a: {  	v1 =	vld.idx.msk [tilespmem:v1+s28+$0x0], $0xffff;
	_ =	sdelay $0x4  }
0x9b: {  	[tilespmem:v2+s0+$0x0] =	vst.idx.add.f32.msk $0xffff, v1  }
0x9c: {  	v1 =	vld [tilespmem:s16+$0x2810];
	_ =	sdelay $0x4  }
0x9d: {  	v2 =	vld [tilespmem:s16+$0x10];
	_ =	sdelay $0x2  }
0x9e: {  	v1 =	vld.idx.msk [tilespmem:v1+s28+$0x0], $0xffff;
	_ =	sdelay $0x4  }
0x9f: {  	[tilespmem:v2+s0+$0x0] =	vst.idx.add.f32.msk $0xffff, v1  }
0xa0: {  	v1 =	vld [tilespmem:s16+$0x2820];
	_ =	sdelay $0x4  }
0xa1: {  	v2 =	vld [tilespmem:s16+$0x20];
	_ =	sdelay $0x2  }
0xa2: {  	v1 =	vld.idx.msk [tilespmem:v1+s28+$0x0], $0xffff;
	_ =	sdelay $0x4  }
0xa3: {  	[tilespmem:v2+s0+$0x0] =	vst.idx.add.f32.msk $0xffff, v1  }
0xa4: {  	v1 =	vld [tilespmem:s16+$0x2830];
	_ =	sdelay $0x4  }
0xa5: {  	v2 =	vld [tilespmem:s16+$0x30];
	_ =	sdelay $0x2  }
0xa6: {  	v1 =	vld.idx.msk [tilespmem:v1+s28+$0x0], $0xffff;
	_ =	sdelay $0x4  }
0xa7: {  	[tilespmem:v2+s0+$0x0] =	vst.idx.add.f32.msk $0xffff, v1  }
0xa8: {  	v1 =	vld [tilespmem:s16+$0x2840];
	_ =	sdelay $0x4  }
0xa9: {  	v2 =	vld [tilespmem:s16+$0x40];
	_ =	sdelay $0x2  }
0xaa: {  	v1 =	vld.idx.msk [tilespmem:v1+s28+$0x0], $0xffff;
	_ =	sdelay $0x4  }
0xab: {  	[tilespmem:v2+s0+$0x0] =	vst.idx.add.f32.msk $0xffff, v1  }
0xac: {  	v1 =	vld [tilespmem:s16+$0x2850];
	_ =	sdelay $0x4  }
0xad: {  	v2 =	vld [tilespmem:s16+$0x50];
	_ =	sdelay $0x2  }
0xae: {  	v1 =	vld.idx.msk [tilespmem:v1+s28+$0x0], $0xffff;
	_ =	sdelay $0x4  }
0xaf: {  	[tilespmem:v2+s0+$0x0] =	vst.idx.add.f32.msk $0xffff, v1  }
0xb0: {  	v1 =	vld [tilespmem:s16+$0x2860];
	_ =	sdelay $0x4  }
0xb1: {  	v2 =	vld [tilespmem:s16+$0x60];
	_ =	sdelay $0x2  }
0xb2: {  	v1 =	vld.idx.msk [tilespmem:v1+s28+$0x0], $0xffff;
	_ =	sdelay $0x4  }
0xb3: {  	[tilespmem:v2+s0+$0x0] =	vst.idx.add.f32.msk $0xffff, v1  }
0xb4: {  	v1 =	vld [tilespmem:s16+$0x2870];
	_ =	sdelay $0x4  }
0xb5: {  	v2 =	vld [tilespmem:s16+$0x70];
	_ =	sdelay $0x2  }
0xb6: {  	v1 =	vld.idx.msk [tilespmem:v1+s28+$0x0], $0xffff;
	_ =	sdelay $0x3  }
0xb7: {  	p0 =	seq.s32 s15, $0x0  }
0xb8: {  	s17 =	simm.s32 @!p0 $0x8;
	[tilespmem:v2+s0+$0x0] =	vst.idx.add.f32.msk $0xffff, v1  }
0xb9: {  	_ =	swait.ge @!p0 [sflag:s17], $0x2000  }
0xba: {  	[sflag:s17] =	ssyncset.done @!p0 $0x0  }
0xbb: {  	s18 =	sadd.s32 $0x180, s16;
	[sflag:s17] =	ssyncadd.s32 @!p0 $0xFFFFE000  }
0xbc: {  	[tilespmem:s5], [sflag:$0x4] =	stream.indirect.gather [hbm4b:s4+s30], $0x40, s18, s30, $0xb8;
	[tilespmem:$0x1C000] =	vst v63  }
0xbd: {  	_ =	swait.ge [sflag:s7], $0x2000  }
0xbe: {  	[sflag:s7] =	ssyncset.done $0x0  }
0xbf: {  	s19 =	sadd.s32 $0x2880, s16;
	[sflag:s7] =	ssyncadd.s32 $0xFFFFE000  }
0xc0: {  	[spmem:s2] =	stream.indirect.scatter.add.f32 [tilespmem:s31], [sflag:$0x6], $0x40, s19, s30, $0xb8;
	[tilespmem:$0x1C000] =	vst v63  }
0xc1: {  	v1 =	vld [tilespmem:s16+$0x2880];
	_ =	sdelay $0x4  }
0xc2: {  	v2 =	vld [tilespmem:s16+$0x80];
	_ =	sdelay $0x2  }
0xc3: {  	v1 =	vld.idx.msk [tilespmem:v1+s28+$0x0], $0xffff;
	_ =	sdelay $0x4  }
0xc4: {  	[tilespmem:v2+s0+$0x0] =	vst.idx.add.f32.msk $0xffff, v1  }
0xc5: {  	v1 =	vld [tilespmem:s16+$0x2890];
	_ =	sdelay $0x4  }
0xc6: {  	v2 =	vld [tilespmem:s16+$0x90];
	_ =	sdelay $0x2  }
0xc7: {  	v1 =	vld.idx.msk [tilespmem:v1+s28+$0x0], $0xffff;
	_ =	sdelay $0x4  }
0xc8: {  	[tilespmem:v2+s0+$0x0] =	vst.idx.add.f32.msk $0xffff, v1  }
0xc9: {  	v1 =	vld [tilespmem:s16+$0x28A0];
	_ =	sdelay $0x4  }
0xca: {  	v2 =	vld [tilespmem:s16+$0xA0];
	_ =	sdelay $0x2  }
0xcb: {  	v1 =	vld.idx.msk [tilespmem:v1+s28+$0x0], $0xffff;
	_ =	sdelay $0x4  }
0xcc: {  	[tilespmem:v2+s0+$0x0] =	vst.idx.add.f32.msk $0xffff, v1  }
0xcd: {  	v1 =	vld [tilespmem:s16+$0x28B0];
	_ =	sdelay $0x4  }
0xce: {  	v2 =	vld [tilespmem:s16+$0xB0];
	_ =	sdelay $0x2  }
0xcf: {  	v1 =	vld.idx.msk [tilespmem:v1+s28+$0x0], $0xffff;
	_ =	sdelay $0x4  }
0xd0: {  	[tilespmem:v2+s0+$0x0] =	vst.idx.add.f32.msk $0xffff, v1  }
0xd1: {  	v1 =	vld [tilespmem:s16+$0x28C0];
	_ =	sdelay $0x4  }
0xd2: {  	v2 =	vld [tilespmem:s16+$0xC0];
	_ =	sdelay $0x2  }
0xd3: {  	v1 =	vld.idx.msk [tilespmem:v1+s28+$0x0], $0xffff;
	_ =	sdelay $0x4  }
0xd4: {  	[tilespmem:v2+s0+$0x0] =	vst.idx.add.f32.msk $0xffff, v1  }
0xd5: {  	v1 =	vld [tilespmem:s16+$0x28D0];
	_ =	sdelay $0x4  }
0xd6: {  	v2 =	vld [tilespmem:s16+$0xD0];
	_ =	sdelay $0x2  }
0xd7: {  	v1 =	vld.idx.msk [tilespmem:v1+s28+$0x0], $0xffff;
	_ =	sdelay $0x4  }
0xd8: {  	[tilespmem:v2+s0+$0x0] =	vst.idx.add.f32.msk $0xffff, v1  }
0xd9: {  	v1 =	vld [tilespmem:s16+$0x28E0];
	_ =	sdelay $0x4  }
0xda: {  	v2 =	vld [tilespmem:s16+$0xE0];
	_ =	sdelay $0x2  }
0xdb: {  	v1 =	vld.idx.msk [tilespmem:v1+s28+$0x0], $0xffff;
	_ =	sdelay $0x4  }
0xdc: {  	[tilespmem:v2+s0+$0x0] =	vst.idx.add.f32.msk $0xffff, v1  }
0xdd: {  	v1 =	vld [tilespmem:s16+$0x28F0];
	_ =	sdelay $0x4  }
0xde: {  	v2 =	vld [tilespmem:s16+$0xF0];
	_ =	sdelay $0x2  }
0xdf: {  	v1 =	vld.idx.msk [tilespmem:v1+s28+$0x0], $0xffff;
	_ =	sdelay $0x3  }
0xe0: {  	p0 =	seq.s32 s15, $0x9800  }
0xe1: {  	s17 =	simm.s32 @!p0 $0x5;
	[tilespmem:v2+s0+$0x0] =	vst.idx.add.f32.msk $0xffff, v1  }
0xe2: {  	_ =	swait.ge @!p0 [sflag:s17], $0x2000  }
0xe3: {  	[sflag:s17] =	ssyncset.done @!p0 $0x0  }
0xe4: {  	[sflag:s17] =	ssyncadd.s32 @!p0 $0xFFFFE000;
	s17 =	sshra.s32 @!p0 s15, $0x2  }
0xe5: {  	s20 =	simm.s32 @!p0 $0x5000;
	s19 =	simm.s32 @!p0 $0x80;
	s18 =	sadd.s32 @!p0 $0x200, s17  }
0xe6: {  	[tilespmem:s20], [sflag:$0x1] =	stream.indirect.gather @!p0 [hbm4b:s4+s19], $0x40, s18, s19, $0xb8;
	[tilespmem:$0x1C000] =	vst v63  }
0xe7: {  	_ =	swait.ge [sflag:s8], $0x2000  }
0xe8: {  	[sflag:s8] =	ssyncset.done $0x0  }
0xe9: {  	s20 =	sadd.s32 $0x2900, s16;
	[sflag:s8] =	ssyncadd.s32 $0xFFFFE000  }
0xea: {  	[spmem:s2] =	stream.indirect.scatter.add.f32 [tilespmem:s1], [sflag:$0x7], $0x40, s20, s30, $0xb8;
	[tilespmem:$0x1C000] =	vst v63  }
0xeb: {  	v1 =	vld [tilespmem:s16+$0x2900];
	_ =	sdelay $0x4  }
0xec: {  	v2 =	vld [tilespmem:s16+$0x100];
	_ =	sdelay $0x2  }
0xed: {  	v1 =	vld.idx.msk [tilespmem:v1+s28+$0x0], $0xffff;
	_ =	sdelay $0x4  }
0xee: {  	[tilespmem:v2+s0+$0x0] =	vst.idx.add.f32.msk $0xffff, v1  }
0xef: {  	v1 =	vld [tilespmem:s16+$0x2910];
	_ =	sdelay $0x4  }
0xf0: {  	v2 =	vld [tilespmem:s16+$0x110];
	_ =	sdelay $0x2  }
0xf1: {  	v1 =	vld.idx.msk [tilespmem:v1+s28+$0x0], $0xffff;
	_ =	sdelay $0x4  }
0xf2: {  	[tilespmem:v2+s0+$0x0] =	vst.idx.add.f32.msk $0xffff, v1  }
0xf3: {  	v1 =	vld [tilespmem:s16+$0x2920];
	_ =	sdelay $0x4  }
0xf4: {  	v2 =	vld [tilespmem:s16+$0x120];
	_ =	sdelay $0x2  }
0xf5: {  	v1 =	vld.idx.msk [tilespmem:v1+s28+$0x0], $0xffff;
	_ =	sdelay $0x4  }
0xf6: {  	[tilespmem:v2+s0+$0x0] =	vst.idx.add.f32.msk $0xffff, v1  }
0xf7: {  	v1 =	vld [tilespmem:s16+$0x2930];
	_ =	sdelay $0x4  }
0xf8: {  	v2 =	vld [tilespmem:s16+$0x130];
	_ =	sdelay $0x2  }
0xf9: {  	v1 =	vld.idx.msk [tilespmem:v1+s28+$0x0], $0xffff;
	_ =	sdelay $0x4  }
0xfa: {  	[tilespmem:v2+s0+$0x0] =	vst.idx.add.f32.msk $0xffff, v1  }
0xfb: {  	v1 =	vld [tilespmem:s16+$0x2940];
	_ =	sdelay $0x4  }
0xfc: {  	v2 =	vld [tilespmem:s16+$0x140];
	_ =	sdelay $0x2  }
0xfd: {  	v1 =	vld.idx.msk [tilespmem:v1+s28+$0x0], $0xffff;
	_ =	sdelay $0x4  }
0xfe: {  	[tilespmem:v2+s0+$0x0] =	vst.idx.add.f32.msk $0xffff, v1  }
0xff: {  	v1 =	vld [tilespmem:s16+$0x2950];
	_ =	sdelay $0x4  }
0x100: {  	v2 =	vld [tilespmem:s16+$0x150];
	_ =	sdelay $0x2  }
0x101: {  	v1 =	vld.idx.msk [tilespmem:v1+s28+$0x0], $0xffff;
	_ =	sdelay $0x4  }
0x102: {  	[tilespmem:v2+s0+$0x0] =	vst.idx.add.f32.msk $0xffff, v1  }
0x103: {  	v1 =	vld [tilespmem:s16+$0x2960];
	_ =	sdelay $0x4  }
0x104: {  	v2 =	vld [tilespmem:s16+$0x160];
	_ =	sdelay $0x2  }
0x105: {  	v1 =	vld.idx.msk [tilespmem:v1+s28+$0x0], $0xffff;
	_ =	sdelay $0x4  }
0x106: {  	[tilespmem:v2+s0+$0x0] =	vst.idx.add.f32.msk $0xffff, v1  }
0x107: {  	v1 =	vld [tilespmem:s16+$0x2970];
	_ =	sdelay $0x4  }
0x108: {  	v2 =	vld [tilespmem:s16+$0x170];
	_ =	sdelay $0x2  }
0x109: {  	v1 =	vld.idx.msk [tilespmem:v1+s28+$0x0], $0xffff;
	_ =	sdelay $0x4  }
0x10a: {  	s18 =	simm.s32 @!p0 $0x6;
	[tilespmem:v2+s0+$0x0] =	vst.idx.add.f32.msk $0xffff, v1  }
0x10b: {  	_ =	swait.ge @!p0 [sflag:s18], $0x2000  }
0x10c: {  	[sflag:s18] =	ssyncset.done @!p0 $0x0  }
0x10d: {  	s17 =	sadd.s32 @!p0 $0x280, s17;
	[sflag:s18] =	ssyncadd.s32 @!p0 $0xFFFFE000;
	s18 =	simm.s32 @!p0 $0x7000  }
0x10e: {  	[tilespmem:s18], [sflag:$0x2] =	stream.indirect.gather @!p0 [hbm4b:s4+s19], $0x40, s17, s19, $0xb8;
	[tilespmem:$0x1C000] =	vst v63  }
0x10f: {  	_ =	swait.ge [sflag:s9], $0x2000  }
0x110: {  	[sflag:s9] =	ssyncset.done $0x0  }
0x111: {  	s20 =	sadd.s32 $0x2980, s16;
	[sflag:s9] =	ssyncadd.s32 $0xFFFFE000  }
0x112: {  	[spmem:s2] =	stream.indirect.scatter.add.f32 [tilespmem:s5], [sflag:$0x8], $0x40, s20, s30, $0xb8;
	[tilespmem:$0x1C000] =	vst v63  }
0x113: {  	v1 =	vld [tilespmem:s16+$0x2980];
	_ =	sdelay $0x4  }
0x114: {  	v2 =	vld [tilespmem:s16+$0x180];
	_ =	sdelay $0x2  }
0x115: {  	v1 =	vld.idx.msk [tilespmem:v1+s28+$0x0], $0xffff;
	_ =	sdelay $0x4  }
0x116: {  	[tilespmem:v2+s0+$0x0] =	vst.idx.add.f32.msk $0xffff, v1  }
0x117: {  	v1 =	vld [tilespmem:s16+$0x2990];
	_ =	sdelay $0x4  }
0x118: {  	v2 =	vld [tilespmem:s16+$0x190];
	_ =	sdelay $0x2  }
0x119: {  	v1 =	vld.idx.msk [tilespmem:v1+s28+$0x0], $0xffff;
	_ =	sdelay $0x4  }
0x11a: {  	[tilespmem:v2+s0+$0x0] =	vst.idx.add.f32.msk $0xffff, v1  }
0x11b: {  	v1 =	vld [tilespmem:s16+$0x29A0];
	_ =	sdelay $0x4  }
0x11c: {  	v2 =	vld [tilespmem:s16+$0x1A0];
	_ =	sdelay $0x2  }
0x11d: {  	v1 =	vld.idx.msk [tilespmem:v1+s28+$0x0], $0xffff;
	_ =	sdelay $0x4  }
0x11e: {  	[tilespmem:v2+s0+$0x0] =	vst.idx.add.f32.msk $0xffff, v1  }
0x11f: {  	v1 =	vld [tilespmem:s16+$0x29B0];
	_ =	sdelay $0x4  }
0x120: {  	v2 =	vld [tilespmem:s16+$0x1B0];
	_ =	sdelay $0x2  }
0x121: {  	v1 =	vld.idx.msk [tilespmem:v1+s28+$0x0], $0xffff;
	_ =	sdelay $0x4  }
0x122: {  	[tilespmem:v2+s0+$0x0] =	vst.idx.add.f32.msk $0xffff, v1  }
0x123: {  	v1 =	vld [tilespmem:s16+$0x29C0];
	_ =	sdelay $0x4  }
0x124: {  	v2 =	vld [tilespmem:s16+$0x1C0];
	_ =	sdelay $0x2  }
0x125: {  	v1 =	vld.idx.msk [tilespmem:v1+s28+$0x0], $0xffff;
	_ =	sdelay $0x4  }
0x126: {  	[tilespmem:v2+s0+$0x0] =	vst.idx.add.f32.msk $0xffff, v1  }
0x127: {  	v1 =	vld [tilespmem:s16+$0x29D0];
	_ =	sdelay $0x4  }
0x128: {  	v2 =	vld [tilespmem:s16+$0x1D0];
	_ =	sdelay $0x2  }
0x129: {  	v1 =	vld.idx.msk [tilespmem:v1+s28+$0x0], $0xffff;
	_ =	sdelay $0x4  }
0x12a: {  	[tilespmem:v2+s0+$0x0] =	vst.idx.add.f32.msk $0xffff, v1  }
0x12b: {  	v1 =	vld [tilespmem:s16+$0x29E0];
	_ =	sdelay $0x4  }
0x12c: {  	v2 =	vld [tilespmem:s16+$0x1E0];
	_ =	sdelay $0x2  }
0x12d: {  	v1 =	vld.idx.msk [tilespmem:v1+s28+$0x0], $0xffff;
	_ =	sdelay $0x4  }
0x12e: {  	[tilespmem:v2+s0+$0x0] =	vst.idx.add.f32.msk $0xffff, v1  }
0x12f: {  	v1 =	vld [tilespmem:s16+$0x29F0];
	_ =	sdelay $0x4  }
0x130: {  	v2 =	vld [tilespmem:s16+$0x1F0];
	_ =	sdelay $0x2  }
0x131: {  	v1 =	vld.idx.msk [tilespmem:v1+s28+$0x0], $0xffff  }
.Ltmp4:
0x132: {  	_ = 	snop;
	(pc) =	sbr.rel @p0 .LBB2_8-.Ltmp4, $2  }
0x133: {  	_ =	sdelay $0x2  }
0x134: {  	[tilespmem:v2+s0+$0x0] =	vst.idx.add.f32.msk $0xffff, v1  }
.Ltmp5:
0x135: {  	(pc) =	sbr.rel .LBB2_6-.Ltmp5, $4  }
0x136: {  	_ =	swait.ge [sflag:s12], $0x2000  }
0x137: {  	[sflag:s12] =	ssyncset.done $0x0  }
0x138: {  	s16 =	sadd.s32 $0x300, s16;
	s15 =	sadd.s32 $0x800, s15;
	[sflag:s12] =	ssyncadd.s32 $0xFFFFE000  }
0x139: {  	[tilespmem:s1], [sflag:$0x3] =	stream.indirect.gather [hbm4b:s4+s30], $0x40, s16, s30, $0xb8;
	[tilespmem:$0x1C000] =	vst v63  }
.LBB2_9:
0x13a: {  	_ =	sfence.sel $0x180000  }
0x13b: {  	[bflag:$0x0] =	sbarrier.arrive $0xFFFF  }
0x13c: {  	_ =	strace $0x9000004A  }
0x13d: {  	s0 =	stileid.u32;
	[bflag:$0x2] =	sbarrier.arrive $0xFFFF  }
0x13e: {  	p0 =	sne.s32 s0, $0x0;
	s0 =	rddreg [dreg:$0x2]  }
0x13f: {  	s0 =	sadd.s32 @!p0 $0x100000, s0  }
0x140: {  	[sflag:s0] =	ssyncadd.tile.s32 @!p0 $0x1;
	_ =	shalt  }
.Lfunc_end2:
_tile_overlayer_lowered:
.L_overlay_start_2:
0x141: {  	(tag) =	ssettag $0x2  }
0x142: {  	s0 =	rddreg [dreg:$0x0];
	s2 =	stileid.u32  }
0x143: {  	s1 =	rddreg [dreg:$0x1];
	p0 =	sne.s32 s2, $0x0  }
0x144: {  	s3 =	rddreg [dreg:$0x2];
	[bflag:$0x3] =	sbarrier.arrive $0xFFFF;
	s2 =	simm.s32 @!p0 $0x1C09  }
0x145: {  	[timem:s3], [sflag:s2] =	dma.local @!p0 [hbm:s0], s1  }
0x146: {  	s0 =	simm.s32 @!p0 $0x9  }
0x147: {  	_ =	swait.ge @!p0 [sflag:s0], s1  }
0x148: {  	s1 =	ssub.s32 @!p0 $0x0, s1;
	[sflag:s0] =	ssyncset.done @!p0 $0x0  }
0x149: {  	[sflag:s0] =	ssyncadd.s32 @!p0 s1  }
0x14a: {  	[bflag:$0x3] =	sbarrier.arrive $0xFFFF  }
0x14b: {  	_ =	shalt  }

</sc_bundles>
